<compile_context>
chip_gen: v7x
topology: tpu7x:2x2x1
jax: 0.10.2.dev20260603
libtpu: 0.0.44.dev20260713+nightly
codegen_flags: <defaults>
</compile_context>

<pallas_src>
import jax
import jax.numpy as jnp
from jax import lax
from jax.experimental import pallas as pl
from jax.experimental.pallas import tpu as pltpu
from jax.experimental.pallas import tpu_sc as plsc

VOCAB = 1000000
EMB = 64
HID = 256
OUT = 2
B = 4096
L = 200

NC = 2
NS = 16
LANES = 16
NW = NC * NS
BPW = B // NW
NVREG = EMB // LANES


DEPTH = 4


def _pool_body(x_hbm, table_hbm, out_hbm, idx_v, rows_v, out_v, *sems):
    wid = lax.axis_index("s") * NC + lax.axis_index("c")
    base = wid * BPW
    pltpu.sync_copy(x_hbm.at[pl.ds(base, BPW)], idx_v)

    def issue(b, d):
        pltpu.async_copy(table_hbm.at[idx_v.at[b, pl.ds(0, 104)]],
                         rows_v.at[d, pl.ds(0, 104)], sems[d])
        pltpu.async_copy(table_hbm.at[idx_v.at[b, pl.ds(104, 96)]],
                         rows_v.at[d, pl.ds(104, 96)], sems[d])

    def drain(d):
        pltpu.make_async_copy(table_hbm.at[pl.ds(0, 104)],
                              rows_v.at[d, pl.ds(0, 104)], sems[d]).wait()
        pltpu.make_async_copy(table_hbm.at[pl.ds(0, 96)],
                              rows_v.at[d, pl.ds(104, 96)], sems[d]).wait()

    for d in range(DEPTH):
        issue(d, d)

    def body(k, carry):
        for d in range(DEPTH):
            b = k * DEPTH + d
            drain(d)

            def red8(lg, accs):
                l0 = lg * 8
                accs = list(accs)
                for dl in range(8):
                    for c in range(NVREG):
                        k_ = (dl % 2) * NVREG + c
                        accs[k_] = accs[k_] + rows_v[d, l0 + dl,
                                                     pl.ds(c * LANES, LANES)]
                return tuple(accs)

            accs = lax.fori_loop(
                0, L // 8, red8,
                tuple(jnp.zeros((LANES,), jnp.float32)
                      for _ in range(2 * NVREG)))
            for c in range(NVREG):
                out_v[b, pl.ds(c * LANES, LANES)] = accs[c] + accs[NVREG + c]

            @pl.when(b + DEPTH < BPW)
            def _():
                issue(b + DEPTH, d)
        return carry

    lax.fori_loop(0, BPW // DEPTH, body, 0)
    pltpu.sync_copy(out_v, out_hbm.at[pl.ds(base, BPW)])


def _pool(x, table):
    mesh = plsc.VectorSubcoreMesh(core_axis_name="c", subcore_axis_name="s",
                                  num_cores=NC, num_subcores=NS)
    return pl.kernel(
        _pool_body,
        out_type=jax.ShapeDtypeStruct((B, EMB), jnp.float32),
        mesh=mesh,
        scratch_types=[
            pltpu.VMEM((BPW, L), jnp.int32),
            pltpu.VMEM((DEPTH, L, EMB), jnp.float32),
            pltpu.VMEM((BPW, EMB), jnp.float32),
        ] + [pltpu.SemaphoreType.DMA] * DEPTH,
        compiler_params=pltpu.CompilerParams(use_tc_tiling_on_sc=False),
    )(x, table)


def _mlp_body(p_ref, w1_ref, b1_ref, w2_ref, b2_ref, o_ref):
    mean = p_ref[...] * (1.0 / L)
    h1 = jnp.maximum(
        jnp.dot(mean, w1_ref[...], preferred_element_type=jnp.float32)
        + b1_ref[...], 0.0)
    logits = (jnp.dot(h1, w2_ref[...], preferred_element_type=jnp.float32)
              + b2_ref[...])
    m = jnp.max(logits, axis=1, keepdims=True)
    s = logits - m
    lse = jnp.log(jnp.sum(jnp.exp(s), axis=1, keepdims=True))
    o_ref[...] = s - lse


def _mlp(pooled, W1, b1, W2, b2):
    BLK = 512
    return pl.pallas_call(
        _mlp_body,
        grid=(B // BLK,),
        in_specs=[
            pl.BlockSpec((BLK, EMB), lambda i: (i, 0)),
            pl.BlockSpec((EMB, HID), lambda i: (0, 0)),
            pl.BlockSpec((1, HID), lambda i: (0, 0)),
            pl.BlockSpec((HID, OUT), lambda i: (0, 0)),
            pl.BlockSpec((1, OUT), lambda i: (0, 0)),
        ],
        out_specs=pl.BlockSpec((BLK, OUT), lambda i: (i, 0)),
        out_shape=jax.ShapeDtypeStruct((B, OUT), jnp.float32),
    )(pooled, W1, b1.reshape(1, HID), W2, b2.reshape(1, OUT))


def kernel(x, table, W1, b1, W2, b2):
    pooled = _pool(x, table)
    return _mlp(pooled, W1, b1, W2, b2)

# --- scband reference (transcript-rebuilt; emitter-appended) ---
"""Pipeline reference for scband-deep-averaging-network-48859547959906 (READ-ONLY COPY).

The authoritative reference and input builder live on the scoring server;
editing this copy changes nothing except your own understanding.
"""

import jax, jax.numpy as jnp
import numpy as np

VOCAB = 1000000
EMB = 64
HID = 256
OUT = 2
B = 4096
L = 200

def setup_inputs(seed: int = 0) -> dict:
    key = jax.random.key(seed)
    k_x, k_tab, k_w1, k_b1, k_w2, k_b2 = jax.random.split(key, 6)
    x = jax.random.randint(k_x, (B, L), 0, VOCAB, dtype=jnp.int64 if jax.config.jax_enable_x64 else jnp.int32).astype(jnp.int32)
    table = jax.random.normal(k_tab, (VOCAB, EMB), dtype=jnp.float32) * 0.02
    W1 = jax.random.normal(k_w1, (EMB, HID), dtype=jnp.float32) * (1.0 / np.sqrt(EMB))
    b1 = jnp.zeros((HID,), dtype=jnp.float32)
    W2 = jax.random.normal(k_w2, (HID, OUT), dtype=jnp.float32) * (1.0 / np.sqrt(HID))
    b2 = jnp.zeros((OUT,), dtype=jnp.float32)
    return {"x": x, "table": table, "W1": W1, "b1": b1, "W2": W2, "b2": b2}

def reference(x, table, W1, b1, W2, b2):
    # embedding lookup (SparseCore gather)
    embedded = jnp.take(table, x, axis=0)            # [B, L, EMB]
    avg_embedded = jnp.mean(embedded, axis=1)        # [B, EMB]
    h1 = jax.nn.relu(avg_embedded @ W1 + b1)         # [B, HID]
    # dropout(p=0.2) is identity in eval / deterministic mode
    output = h1 @ W2 + b2                            # [B, OUT]
    log_probs = jax.nn.log_softmax(output, axis=1)
    return log_probs

if __name__ == "__main__":
    import jax
    _d = setup_inputs()
    print(jax.jit(kernel)(*tuple(_d.values())))

</pallas_src>

<mosaic_0001>
#map = affine_map<(d0, d1) -> (0, 0)>
module attributes {stable_mosaic.version = 14 : i64} {
  func.func @_pool_body(%arg0: i32, %arg1: i32, %arg2: memref<4096x200xi32, #tpu.memory_space<hbm>>, %arg3: memref<1000000x64xf32, #tpu.memory_space<hbm>>, %arg4: memref<4096x64xf32, #tpu.memory_space<hbm>>, %arg5: memref<128x200xi32, #tpu.memory_space<vmem>>, %arg6: memref<4x200x64xf32, #tpu.memory_space<vmem>>, %arg7: memref<128x64xf32, #tpu.memory_space<vmem>>, %arg8: memref<!tpu.dma_semaphore, #tpu.memory_space<semaphore_mem>>, %arg9: memref<!tpu.dma_semaphore, #tpu.memory_space<semaphore_mem>>, %arg10: memref<!tpu.dma_semaphore, #tpu.memory_space<semaphore_mem>>, %arg11: memref<!tpu.dma_semaphore, #tpu.memory_space<semaphore_mem>>) attributes {dimension_semantics = [#tpu.dimension_semantics<core_parallel>, #tpu.dimension_semantics<subcore_parallel>], iteration_bounds = array<i64: 2, 16>, scalar_prefetch = 0 : i64, scratch_operands = 7 : i64, tpu.core_type = #tpu.core_type<sc_vector_subcore>, window_params = [{transform_indices = #map}, {transform_indices = #map}, {transform_indices = #map}]} {
    %mul3A = arith.constant 2 : i32
    %mul3A_0 = arith.muli %arg1, %mul3A : i32
    %add3A = arith.addi %mul3A_0, %arg0 : i32
    %mul3A_1 = arith.constant 128 : i32
    %mul3A_2 = arith.muli %add3A, %mul3A_1 : i32
    "tpu.region"() ({
      %run_scoped3A = tpu.sem_alloc : memref<!tpu.dma_semaphore, #tpu.memory_space<semaphore_mem>>
      %dma_start3A_103 = arith.constant 0 : i32
      %dma_start3A_104 = tpu.memref_slice %arg2[%mul3A_2, %dma_start3A_103] : memref<4096x200xi32, #tpu.memory_space<hbm>> -> memref<128x200xi32, #tpu.memory_space<hbm>>
      %dma_start3A_105 = arith.constant 0 : i32
      %dma_start3A_106 = tpu.memref_slice %arg2[%mul3A_2, %dma_start3A_105] : memref<4096x200xi32, #tpu.memory_space<hbm>> -> memref<128x200xi32, #tpu.memory_space<hbm>>
      tpu.enqueue_dma source(%dma_start3A_106 : memref<128x200xi32, #tpu.memory_space<hbm>>) target(%arg5 : memref<128x200xi32, #tpu.memory_space<vmem>>) target_semaphore(%run_scoped3A : memref<!tpu.dma_semaphore, #tpu.memory_space<semaphore_mem>>)
      %dma_wait3A = arith.constant 0 : i32
      %dma_wait3A_107 = tpu.memref_slice %arg2[%mul3A_2, %dma_wait3A] : memref<4096x200xi32, #tpu.memory_space<hbm>> -> memref<128x200xi32, #tpu.memory_space<hbm>>
      %dma_wait3A_108 = arith.constant 0 : i32
      %dma_wait3A_109 = tpu.memref_slice %arg2[%mul3A_2, %dma_wait3A_108] : memref<4096x200xi32, #tpu.memory_space<hbm>> -> memref<128x200xi32, #tpu.memory_space<hbm>>
      tpu.wait_dma2 semaphore(%run_scoped3A : memref<!tpu.dma_semaphore, #tpu.memory_space<semaphore_mem>>) src(%dma_wait3A_109 : memref<128x200xi32, #tpu.memory_space<hbm>>) dst(%arg5 : memref<128x200xi32, #tpu.memory_space<vmem>>)
      tpu.yield
    }) : () -> ()
    %dma_start3A = arith.constant 0 : i32
    %dma_start3A_3 = arith.constant 0 : i32
    %dma_start3A_4 = arith.constant 0 : i32
    %dma_start3A_5 = arith.constant 0 : i32
    %dma_start3A_6 = tpu.memref_slice %arg6[%dma_start3A_3, %dma_start3A_4, %dma_start3A_5] : memref<4x200x64xf32, #tpu.memory_space<vmem>> -> memref<1x104x64xf32, #tpu.memory_space<vmem>>
    %dma_start3A_7 = tpu.memref_squeeze %dma_start3A_6 : memref<1x104x64xf32, #tpu.memory_space<vmem>> -> memref<104x64xf32, #tpu.memory_space<vmem>>
    %dma_start3A_8 = arith.constant 0 : i32
    %dma_start3A_9 = tpu.memref_slice %arg5[%dma_start3A, %dma_start3A_8] : memref<128x200xi32, #tpu.memory_space<vmem>> -> memref<1x104xi32, #tpu.memory_space<vmem>>
    %dma_start3A_10 = tpu.memref_squeeze %dma_start3A_9 : memref<1x104xi32, #tpu.memory_space<vmem>> -> memref<104xi32, #tpu.memory_space<vmem>>
    %dma_start3A_11 = arith.constant 0 : i32
    %dma_start3A_12 = arith.constant 0 : i32
    %dma_start3A_13 = tpu.memref_slice %arg3[%dma_start3A_11, %dma_start3A_12] : memref<1000000x64xf32, #tpu.memory_space<hbm>> -> memref<1000000x64xf32, #tpu.memory_space<hbm>>
    tpu.enqueue_indirect_dma source(%dma_start3A_13 : memref<1000000x64xf32, #tpu.memory_space<hbm>>) target(%dma_start3A_7 : memref<104x64xf32, #tpu.memory_space<vmem>>) offsets(%dma_start3A_10 : memref<104xi32, #tpu.memory_space<vmem>>) semaphore(%arg8 : memref<!tpu.dma_semaphore, #tpu.memory_space<semaphore_mem>>)
    %dma_start3A_14 = arith.constant 0 : i32
    %dma_start3A_15 = arith.constant 0 : i32
    %dma_start3A_16 = arith.constant 104 : i32
    %dma_start3A_17 = arith.constant 0 : i32
    %dma_start3A_18 = tpu.memref_slice %arg6[%dma_start3A_15, %dma_start3A_16, %dma_start3A_17] : memref<4x200x64xf32, #tpu.memory_space<vmem>> -> memref<1x96x64xf32, #tpu.memory_space<vmem>>
    %dma_start3A_19 = tpu.memref_squeeze %dma_start3A_18 : memref<1x96x64xf32, #tpu.memory_space<vmem>> -> memref<96x64xf32, #tpu.memory_space<vmem>>
    %dma_start3A_20 = arith.constant 104 : i32
    %dma_start3A_21 = tpu.memref_slice %arg5[%dma_start3A_14, %dma_start3A_20] : memref<128x200xi32, #tpu.memory_space<vmem>> -> memref<1x96xi32, #tpu.memory_space<vmem>>
    %dma_start3A_22 = tpu.memref_squeeze %dma_start3A_21 : memref<1x96xi32, #tpu.memory_space<vmem>> -> memref<96xi32, #tpu.memory_space<vmem>>
    %dma_start3A_23 = arith.constant 0 : i32
    %dma_start3A_24 = arith.constant 0 : i32
    %dma_start3A_25 = tpu.memref_slice %arg3[%dma_start3A_23, %dma_start3A_24] : memref<1000000x64xf32, #tpu.memory_space<hbm>> -> memref<1000000x64xf32, #tpu.memory_space<hbm>>
    tpu.enqueue_indirect_dma source(%dma_start3A_25 : memref<1000000x64xf32, #tpu.memory_space<hbm>>) target(%dma_start3A_19 : memref<96x64xf32, #tpu.memory_space<vmem>>) offsets(%dma_start3A_22 : memref<96xi32, #tpu.memory_space<vmem>>) semaphore(%arg8 : memref<!tpu.dma_semaphore, #tpu.memory_space<semaphore_mem>>)
    %dma_start3A_26 = arith.constant 1 : i32
    %dma_start3A_27 = arith.constant 1 : i32
    %dma_start3A_28 = arith.constant 0 : i32
    %dma_start3A_29 = arith.constant 0 : i32
    %dma_start3A_30 = tpu.memref_slice %arg6[%dma_start3A_27, %dma_start3A_28, %dma_start3A_29] : memref<4x200x64xf32, #tpu.memory_space<vmem>> -> memref<1x104x64xf32, #tpu.memory_space<vmem>>
    %dma_start3A_31 = tpu.memref_squeeze %dma_start3A_30 : memref<1x104x64xf32, #tpu.memory_space<vmem>> -> memref<104x64xf32, #tpu.memory_space<vmem>>
    %dma_start3A_32 = arith.constant 0 : i32
    %dma_start3A_33 = tpu.memref_slice %arg5[%dma_start3A_26, %dma_start3A_32] : memref<128x200xi32, #tpu.memory_space<vmem>> -> memref<1x104xi32, #tpu.memory_space<vmem>>
    %dma_start3A_34 = tpu.memref_squeeze %dma_start3A_33 : memref<1x104xi32, #tpu.memory_space<vmem>> -> memref<104xi32, #tpu.memory_space<vmem>>
    %dma_start3A_35 = arith.constant 0 : i32
    %dma_start3A_36 = arith.constant 0 : i32
    %dma_start3A_37 = tpu.memref_slice %arg3[%dma_start3A_35, %dma_start3A_36] : memref<1000000x64xf32, #tpu.memory_space<hbm>> -> memref<1000000x64xf32, #tpu.memory_space<hbm>>
    tpu.enqueue_indirect_dma source(%dma_start3A_37 : memref<1000000x64xf32, #tpu.memory_space<hbm>>) target(%dma_start3A_31 : memref<104x64xf32, #tpu.memory_space<vmem>>) offsets(%dma_start3A_34 : memref<104xi32, #tpu.memory_space<vmem>>) semaphore(%arg9 : memref<!tpu.dma_semaphore, #tpu.memory_space<semaphore_mem>>)
    %dma_start3A_38 = arith.constant 1 : i32
    %dma_start3A_39 = arith.constant 1 : i32
    %dma_start3A_40 = arith.constant 104 : i32
    %dma_start3A_41 = arith.constant 0 : i32
    %dma_start3A_42 = tpu.memref_slice %arg6[%dma_start3A_39, %dma_start3A_40, %dma_start3A_41] : memref<4x200x64xf32, #tpu.memory_space<vmem>> -> memref<1x96x64xf32, #tpu.memory_space<vmem>>
    %dma_start3A_43 = tpu.memref_squeeze %dma_start3A_42 : memref<1x96x64xf32, #tpu.memory_space<vmem>> -> memref<96x64xf32, #tpu.memory_space<vmem>>
    %dma_start3A_44 = arith.constant 104 : i32
    %dma_start3A_45 = tpu.memref_slice %arg5[%dma_start3A_38, %dma_start3A_44] : memref<128x200xi32, #tpu.memory_space<vmem>> -> memref<1x96xi32, #tpu.memory_space<vmem>>
    %dma_start3A_46 = tpu.memref_squeeze %dma_start3A_45 : memref<1x96xi32, #tpu.memory_space<vmem>> -> memref<96xi32, #tpu.memory_space<vmem>>
    %dma_start3A_47 = arith.constant 0 : i32
    %dma_start3A_48 = arith.constant 0 : i32
    %dma_start3A_49 = tpu.memref_slice %arg3[%dma_start3A_47, %dma_start3A_48] : memref<1000000x64xf32, #tpu.memory_space<hbm>> -> memref<1000000x64xf32, #tpu.memory_space<hbm>>
    tpu.enqueue_indirect_dma source(%dma_start3A_49 : memref<1000000x64xf32, #tpu.memory_space<hbm>>) target(%dma_start3A_43 : memref<96x64xf32, #tpu.memory_space<vmem>>) offsets(%dma_start3A_46 : memref<96xi32, #tpu.memory_space<vmem>>) semaphore(%arg9 : memref<!tpu.dma_semaphore, #tpu.memory_space<semaphore_mem>>)
    %dma_start3A_50 = arith.constant 2 : i32
    %dma_start3A_51 = arith.constant 2 : i32
    %dma_start3A_52 = arith.constant 0 : i32
    %dma_start3A_53 = arith.constant 0 : i32
    %dma_start3A_54 = tpu.memref_slice %arg6[%dma_start3A_51, %dma_start3A_52, %dma_start3A_53] : memref<4x200x64xf32, #tpu.memory_space<vmem>> -> memref<1x104x64xf32, #tpu.memory_space<vmem>>
    %dma_start3A_55 = tpu.memref_squeeze %dma_start3A_54 : memref<1x104x64xf32, #tpu.memory_space<vmem>> -> memref<104x64xf32, #tpu.memory_space<vmem>>
    %dma_start3A_56 = arith.constant 0 : i32
    %dma_start3A_57 = tpu.memref_slice %arg5[%dma_start3A_50, %dma_start3A_56] : memref<128x200xi32, #tpu.memory_space<vmem>> -> memref<1x104xi32, #tpu.memory_space<vmem>>
    %dma_start3A_58 = tpu.memref_squeeze %dma_start3A_57 : memref<1x104xi32, #tpu.memory_space<vmem>> -> memref<104xi32, #tpu.memory_space<vmem>>
    %dma_start3A_59 = arith.constant 0 : i32
    %dma_start3A_60 = arith.constant 0 : i32
    %dma_start3A_61 = tpu.memref_slice %arg3[%dma_start3A_59, %dma_start3A_60] : memref<1000000x64xf32, #tpu.memory_space<hbm>> -> memref<1000000x64xf32, #tpu.memory_space<hbm>>
    tpu.enqueue_indirect_dma source(%dma_start3A_61 : memref<1000000x64xf32, #tpu.memory_space<hbm>>) target(%dma_start3A_55 : memref<104x64xf32, #tpu.memory_space<vmem>>) offsets(%dma_start3A_58 : memref<104xi32, #tpu.memory_space<vmem>>) semaphore(%arg10 : memref<!tpu.dma_semaphore, #tpu.memory_space<semaphore_mem>>)
    %dma_start3A_62 = arith.constant 2 : i32
    %dma_start3A_63 = arith.constant 2 : i32
    %dma_start3A_64 = arith.constant 104 : i32
    %dma_start3A_65 = arith.constant 0 : i32
    %dma_start3A_66 = tpu.memref_slice %arg6[%dma_start3A_63, %dma_start3A_64, %dma_start3A_65] : memref<4x200x64xf32, #tpu.memory_space<vmem>> -> memref<1x96x64xf32, #tpu.memory_space<vmem>>
    %dma_start3A_67 = tpu.memref_squeeze %dma_start3A_66 : memref<1x96x64xf32, #tpu.memory_space<vmem>> -> memref<96x64xf32, #tpu.memory_space<vmem>>
    %dma_start3A_68 = arith.constant 104 : i32
    %dma_start3A_69 = tpu.memref_slice %arg5[%dma_start3A_62, %dma_start3A_68] : memref<128x200xi32, #tpu.memory_space<vmem>> -> memref<1x96xi32, #tpu.memory_space<vmem>>
    %dma_start3A_70 = tpu.memref_squeeze %dma_start3A_69 : memref<1x96xi32, #tpu.memory_space<vmem>> -> memref<96xi32, #tpu.memory_space<vmem>>
    %dma_start3A_71 = arith.constant 0 : i32
    %dma_start3A_72 = arith.constant 0 : i32
    %dma_start3A_73 = tpu.memref_slice %arg3[%dma_start3A_71, %dma_start3A_72] : memref<1000000x64xf32, #tpu.memory_space<hbm>> -> memref<1000000x64xf32, #tpu.memory_space<hbm>>
    tpu.enqueue_indirect_dma source(%dma_start3A_73 : memref<1000000x64xf32, #tpu.memory_space<hbm>>) target(%dma_start3A_67 : memref<96x64xf32, #tpu.memory_space<vmem>>) offsets(%dma_start3A_70 : memref<96xi32, #tpu.memory_space<vmem>>) semaphore(%arg10 : memref<!tpu.dma_semaphore, #tpu.memory_space<semaphore_mem>>)
    %dma_start3A_74 = arith.constant 3 : i32
    %dma_start3A_75 = arith.constant 3 : i32
    %dma_start3A_76 = arith.constant 0 : i32
    %dma_start3A_77 = arith.constant 0 : i32
    %dma_start3A_78 = tpu.memref_slice %arg6[%dma_start3A_75, %dma_start3A_76, %dma_start3A_77] : memref<4x200x64xf32, #tpu.memory_space<vmem>> -> memref<1x104x64xf32, #tpu.memory_space<vmem>>
    %dma_start3A_79 = tpu.memref_squeeze %dma_start3A_78 : memref<1x104x64xf32, #tpu.memory_space<vmem>> -> memref<104x64xf32, #tpu.memory_space<vmem>>
    %dma_start3A_80 = arith.constant 0 : i32
    %dma_start3A_81 = tpu.memref_slice %arg5[%dma_start3A_74, %dma_start3A_80] : memref<128x200xi32, #tpu.memory_space<vmem>> -> memref<1x104xi32, #tpu.memory_space<vmem>>
    %dma_start3A_82 = tpu.memref_squeeze %dma_start3A_81 : memref<1x104xi32, #tpu.memory_space<vmem>> -> memref<104xi32, #tpu.memory_space<vmem>>
    %dma_start3A_83 = arith.constant 0 : i32
    %dma_start3A_84 = arith.constant 0 : i32
    %dma_start3A_85 = tpu.memref_slice %arg3[%dma_start3A_83, %dma_start3A_84] : memref<1000000x64xf32, #tpu.memory_space<hbm>> -> memref<1000000x64xf32, #tpu.memory_space<hbm>>
    tpu.enqueue_indirect_dma source(%dma_start3A_85 : memref<1000000x64xf32, #tpu.memory_space<hbm>>) target(%dma_start3A_79 : memref<104x64xf32, #tpu.memory_space<vmem>>) offsets(%dma_start3A_82 : memref<104xi32, #tpu.memory_space<vmem>>) semaphore(%arg11 : memref<!tpu.dma_semaphore, #tpu.memory_space<semaphore_mem>>)
    %dma_start3A_86 = arith.constant 3 : i32
    %dma_start3A_87 = arith.constant 3 : i32
    %dma_start3A_88 = arith.constant 104 : i32
    %dma_start3A_89 = arith.constant 0 : i32
    %dma_start3A_90 = tpu.memref_slice %arg6[%dma_start3A_87, %dma_start3A_88, %dma_start3A_89] : memref<4x200x64xf32, #tpu.memory_space<vmem>> -> memref<1x96x64xf32, #tpu.memory_space<vmem>>
    %dma_start3A_91 = tpu.memref_squeeze %dma_start3A_90 : memref<1x96x64xf32, #tpu.memory_space<vmem>> -> memref<96x64xf32, #tpu.memory_space<vmem>>
    %dma_start3A_92 = arith.constant 104 : i32
    %dma_start3A_93 = tpu.memref_slice %arg5[%dma_start3A_86, %dma_start3A_92] : memref<128x200xi32, #tpu.memory_space<vmem>> -> memref<1x96xi32, #tpu.memory_space<vmem>>
    %dma_start3A_94 = tpu.memref_squeeze %dma_start3A_93 : memref<1x96xi32, #tpu.memory_space<vmem>> -> memref<96xi32, #tpu.memory_space<vmem>>
    %dma_start3A_95 = arith.constant 0 : i32
    %dma_start3A_96 = arith.constant 0 : i32
    %dma_start3A_97 = tpu.memref_slice %arg3[%dma_start3A_95, %dma_start3A_96] : memref<1000000x64xf32, #tpu.memory_space<hbm>> -> memref<1000000x64xf32, #tpu.memory_space<hbm>>
    tpu.enqueue_indirect_dma source(%dma_start3A_97 : memref<1000000x64xf32, #tpu.memory_space<hbm>>) target(%dma_start3A_91 : memref<96x64xf32, #tpu.memory_space<vmem>>) offsets(%dma_start3A_94 : memref<96xi32, #tpu.memory_space<vmem>>) semaphore(%arg11 : memref<!tpu.dma_semaphore, #tpu.memory_space<semaphore_mem>>)
    %scan3A = arith.constant 0 : i32
    %scan3A_98 = arith.constant 0 : i32
    %scan3A_99 = arith.constant 32 : i32
    %scan3A_100 = arith.addi %scan3A_98, %scan3A_99 : i32
    %scan3A_101 = arith.constant 1 : i32
    scf.for %scan3A_103 = %scan3A_98 to %scan3A_100 step %scan3A_101  : i32 {
      %mul3A_104 = arith.constant 4 : i32
      %mul3A_105 = arith.muli %scan3A_103, %mul3A_104 : i32
      %add3A_106 = arith.constant 0 : i32
      %add3A_107 = arith.addi %mul3A_105, %add3A_106 : i32
      %dma_wait3A = arith.constant 0 : i32
      %dma_wait3A_108 = arith.constant 0 : i32
      %dma_wait3A_109 = arith.constant 0 : i32
      %dma_wait3A_110 = tpu.memref_slice %arg6[%dma_wait3A, %dma_wait3A_108, %dma_wait3A_109] : memref<4x200x64xf32, #tpu.memory_space<vmem>> -> memref<1x104x64xf32, #tpu.memory_space<vmem>>
      %dma_wait3A_111 = tpu.memref_squeeze %dma_wait3A_110 : memref<1x104x64xf32, #tpu.memory_space<vmem>> -> memref<104x64xf32, #tpu.memory_space<vmem>>
      %dma_wait3A_112 = arith.constant 0 : i32
      %dma_wait3A_113 = arith.constant 0 : i32
      %dma_wait3A_114 = tpu.memref_slice %arg3[%dma_wait3A_112, %dma_wait3A_113] : memref<1000000x64xf32, #tpu.memory_space<hbm>> -> memref<104x64xf32, #tpu.memory_space<hbm>>
      %dma_wait3A_115 = arith.constant 0 : i32
      %dma_wait3A_116 = arith.constant 0 : i32
      %dma_wait3A_117 = tpu.memref_slice %arg6[%dma_wait3A, %dma_wait3A_115, %dma_wait3A_116] : memref<4x200x64xf32, #tpu.memory_space<vmem>> -> memref<1x104x64xf32, #tpu.memory_space<vmem>>
      %dma_wait3A_118 = tpu.memref_squeeze %dma_wait3A_117 : memref<1x104x64xf32, #tpu.memory_space<vmem>> -> memref<104x64xf32, #tpu.memory_space<vmem>>
      %dma_wait3A_119 = arith.constant 0 : i32
      %dma_wait3A_120 = arith.constant 0 : i32
      %dma_wait3A_121 = tpu.memref_slice %arg3[%dma_wait3A_119, %dma_wait3A_120] : memref<1000000x64xf32, #tpu.memory_space<hbm>> -> memref<104x64xf32, #tpu.memory_space<hbm>>
      tpu.wait_dma2 semaphore(%arg8 : memref<!tpu.dma_semaphore, #tpu.memory_space<semaphore_mem>>) src(%dma_wait3A_121 : memref<104x64xf32, #tpu.memory_space<hbm>>) dst(%dma_wait3A_118 : memref<104x64xf32, #tpu.memory_space<vmem>>)
      %dma_wait3A_122 = arith.constant 0 : i32
      %dma_wait3A_123 = arith.constant 104 : i32
      %dma_wait3A_124 = arith.constant 0 : i32
      %dma_wait3A_125 = tpu.memref_slice %arg6[%dma_wait3A_122, %dma_wait3A_123, %dma_wait3A_124] : memref<4x200x64xf32, #tpu.memory_space<vmem>> -> memref<1x96x64xf32, #tpu.memory_space<vmem>>
      %dma_wait3A_126 = tpu.memref_squeeze %dma_wait3A_125 : memref<1x96x64xf32, #tpu.memory_space<vmem>> -> memref<96x64xf32, #tpu.memory_space<vmem>>
      %dma_wait3A_127 = arith.constant 0 : i32
      %dma_wait3A_128 = arith.constant 0 : i32
      %dma_wait3A_129 = tpu.memref_slice %arg3[%dma_wait3A_127, %dma_wait3A_128] : memref<1000000x64xf32, #tpu.memory_space<hbm>> -> memref<96x64xf32, #tpu.memory_space<hbm>>
      %dma_wait3A_130 = arith.constant 104 : i32
      %dma_wait3A_131 = arith.constant 0 : i32
      %dma_wait3A_132 = tpu.memref_slice %arg6[%dma_wait3A_122, %dma_wait3A_130, %dma_wait3A_131] : memref<4x200x64xf32, #tpu.memory_space<vmem>> -> memref<1x96x64xf32, #tpu.memory_space<vmem>>
      %dma_wait3A_133 = tpu.memref_squeeze %dma_wait3A_132 : memref<1x96x64xf32, #tpu.memory_space<vmem>> -> memref<96x64xf32, #tpu.memory_space<vmem>>
      %dma_wait3A_134 = arith.constant 0 : i32
      %dma_wait3A_135 = arith.constant 0 : i32
      %dma_wait3A_136 = tpu.memref_slice %arg3[%dma_wait3A_134, %dma_wait3A_135] : memref<1000000x64xf32, #tpu.memory_space<hbm>> -> memref<96x64xf32, #tpu.memory_space<hbm>>
      tpu.wait_dma2 semaphore(%arg8 : memref<!tpu.dma_semaphore, #tpu.memory_space<semaphore_mem>>) src(%dma_wait3A_136 : memref<96x64xf32, #tpu.memory_space<hbm>>) dst(%dma_wait3A_133 : memref<96x64xf32, #tpu.memory_space<vmem>>)
      %broadcast_in_dim3A = arith.constant 0.000000e+00 : f32
      %broadcast_in_dim3A_137 = vector.broadcast %broadcast_in_dim3A : f32 to vector<16xf32>
      %broadcast_in_dim3A_138 = arith.constant 0.000000e+00 : f32
      %broadcast_in_dim3A_139 = vector.broadcast %broadcast_in_dim3A_138 : f32 to vector<16xf32>
      %broadcast_in_dim3A_140 = arith.constant 0.000000e+00 : f32
      %broadcast_in_dim3A_141 = vector.broadcast %broadcast_in_dim3A_140 : f32 to vector<16xf32>
      %broadcast_in_dim3A_142 = arith.constant 0.000000e+00 : f32
      %broadcast_in_dim3A_143 = vector.broadcast %broadcast_in_dim3A_142 : f32 to vector<16xf32>
      %broadcast_in_dim3A_144 = arith.constant 0.000000e+00 : f32
      %broadcast_in_dim3A_145 = vector.broadcast %broadcast_in_dim3A_144 : f32 to vector<16xf32>
      %broadcast_in_dim3A_146 = arith.constant 0.000000e+00 : f32
      %broadcast_in_dim3A_147 = vector.broadcast %broadcast_in_dim3A_146 : f32 to vector<16xf32>
      %broadcast_in_dim3A_148 = arith.constant 0.000000e+00 : f32
      %broadcast_in_dim3A_149 = vector.broadcast %broadcast_in_dim3A_148 : f32 to vector<16xf32>
      %broadcast_in_dim3A_150 = arith.constant 0.000000e+00 : f32
      %broadcast_in_dim3A_151 = vector.broadcast %broadcast_in_dim3A_150 : f32 to vector<16xf32>
      %scan3A_152 = arith.constant 0 : i32
      %scan3A_153 = arith.constant 25 : i32
      %scan3A_154 = arith.addi %scan3A_152, %scan3A_153 : i32
      %scan3A_155 = arith.constant 1 : i32
      %scan3A_156:8 = scf.for %scan3A_446 = %scan3A_152 to %scan3A_154 step %scan3A_155 iter_args(%scan3A_447 = %broadcast_in_dim3A_137, %scan3A_448 = %broadcast_in_dim3A_139, %scan3A_449 = %broadcast_in_dim3A_141, %scan3A_450 = %broadcast_in_dim3A_143, %scan3A_451 = %broadcast_in_dim3A_145, %scan3A_452 = %broadcast_in_dim3A_147, %scan3A_453 = %broadcast_in_dim3A_149, %scan3A_454 = %broadcast_in_dim3A_151) -> (vector<16xf32>, vector<16xf32>, vector<16xf32>, vector<16xf32>, vector<16xf32>, vector<16xf32>, vector<16xf32>, vector<16xf32>)  : i32 {
        %mul3A_455 = arith.constant 8 : i32
        %mul3A_456 = arith.muli %scan3A_446, %mul3A_455 : i32
        %add3A_457 = arith.constant 0 : i32
        %add3A_458 = arith.addi %mul3A_456, %add3A_457 : i32
        %get3A = arith.constant 0 : i32
        %get3A_459 = arith.index_cast %get3A : i32 to index
        %get3A_460 = arith.index_cast %add3A_458 : i32 to index
        %get3A_461 = arith.constant 0 : index
        %get3A_462 = tpu.vector_load %arg6[%get3A_459, %get3A_460, %get3A_461] {strides = array<i32>} : memref<4x200x64xf32, #tpu.memory_space<vmem>>, vector<1x1x16xf32>,
        %get3A_463 = vector.shape_cast %get3A_462 : vector<1x1x16xf32> to vector<16xf32>
        %add3A_464 = arith.addf %scan3A_447, %get3A_463 : vector<16xf32>
        %add3A_465 = arith.constant 0 : i32
        %add3A_466 = arith.addi %mul3A_456, %add3A_465 : i32
        %get3A_467 = arith.constant 0 : i32
        %get3A_468 = arith.index_cast %get3A_467 : i32 to index
        %get3A_469 = arith.index_cast %add3A_466 : i32 to index
        %get3A_470 = arith.constant 16 : index
        %get3A_471 = tpu.vector_load %arg6[%get3A_468, %get3A_469, %get3A_470] {strides = array<i32>} : memref<4x200x64xf32, #tpu.memory_space<vmem>>, vector<1x1x16xf32>,
        %get3A_472 = vector.shape_cast %get3A_471 : vector<1x1x16xf32> to vector<16xf32>
        %add3A_473 = arith.addf %scan3A_448, %get3A_472 : vector<16xf32>
        %add3A_474 = arith.constant 0 : i32
        %add3A_475 = arith.addi %mul3A_456, %add3A_474 : i32
        %get3A_476 = arith.constant 0 : i32
        %get3A_477 = arith.index_cast %get3A_476 : i32 to index
        %get3A_478 = arith.index_cast %add3A_475 : i32 to index
        %get3A_479 = arith.constant 32 : index
        %get3A_480 = tpu.vector_load %arg6[%get3A_477, %get3A_478, %get3A_479] {strides = array<i32>} : memref<4x200x64xf32, #tpu.memory_space<vmem>>, vector<1x1x16xf32>,
        %get3A_481 = vector.shape_cast %get3A_480 : vector<1x1x16xf32> to vector<16xf32>
        %add3A_482 = arith.addf %scan3A_449, %get3A_481 : vector<16xf32>
        %add3A_483 = arith.constant 0 : i32
        %add3A_484 = arith.addi %mul3A_456, %add3A_483 : i32
        %get3A_485 = arith.constant 0 : i32
        %get3A_486 = arith.index_cast %get3A_485 : i32 to index
        %get3A_487 = arith.index_cast %add3A_484 : i32 to index
        %get3A_488 = arith.constant 48 : index
        %get3A_489 = tpu.vector_load %arg6[%get3A_486, %get3A_487, %get3A_488] {strides = array<i32>} : memref<4x200x64xf32, #tpu.memory_space<vmem>>, vector<1x1x16xf32>,
        %get3A_490 = vector.shape_cast %get3A_489 : vector<1x1x16xf32> to vector<16xf32>
        %add3A_491 = arith.addf %scan3A_450, %get3A_490 : vector<16xf32>
        %add3A_492 = arith.constant 1 : i32
        %add3A_493 = arith.addi %mul3A_456, %add3A_492 : i32
        %get3A_494 = arith.constant 0 : i32
        %get3A_495 = arith.index_cast %get3A_494 : i32 to index
        %get3A_496 = arith.index_cast %add3A_493 : i32 to index
        %get3A_497 = arith.constant 0 : index
        %get3A_498 = tpu.vector_load %arg6[%get3A_495, %get3A_496, %get3A_497] {strides = array<i32>} : memref<4x200x64xf32, #tpu.memory_space<vmem>>, vector<1x1x16xf32>,
        %get3A_499 = vector.shape_cast %get3A_498 : vector<1x1x16xf32> to vector<16xf32>
        %add3A_500 = arith.addf %scan3A_451, %get3A_499 : vector<16xf32>
        %add3A_501 = arith.constant 1 : i32
        %add3A_502 = arith.addi %mul3A_456, %add3A_501 : i32
        %get3A_503 = arith.constant 0 : i32
        %get3A_504 = arith.index_cast %get3A_503 : i32 to index
        %get3A_505 = arith.index_cast %add3A_502 : i32 to index
        %get3A_506 = arith.constant 16 : index
        %get3A_507 = tpu.vector_load %arg6[%get3A_504, %get3A_505, %get3A_506] {strides = array<i32>} : memref<4x200x64xf32, #tpu.memory_space<vmem>>, vector<1x1x16xf32>,
        %get3A_508 = vector.shape_cast %get3A_507 : vector<1x1x16xf32> to vector<16xf32>
        %add3A_509 = arith.addf %scan3A_452, %get3A_508 : vector<16xf32>
        %add3A_510 = arith.constant 1 : i32
        %add3A_511 = arith.addi %mul3A_456, %add3A_510 : i32
        %get3A_512 = arith.constant 0 : i32
        %get3A_513 = arith.index_cast %get3A_512 : i32 to index
        %get3A_514 = arith.index_cast %add3A_511 : i32 to index
        %get3A_515 = arith.constant 32 : index
        %get3A_516 = tpu.vector_load %arg6[%get3A_513, %get3A_514, %get3A_515] {strides = array<i32>} : memref<4x200x64xf32, #tpu.memory_space<vmem>>, vector<1x1x16xf32>,
        %get3A_517 = vector.shape_cast %get3A_516 : vector<1x1x16xf32> to vector<16xf32>
        %add3A_518 = arith.addf %scan3A_453, %get3A_517 : vector<16xf32>
        %add3A_519 = arith.constant 1 : i32
        %add3A_520 = arith.addi %mul3A_456, %add3A_519 : i32
        %get3A_521 = arith.constant 0 : i32
        %get3A_522 = arith.index_cast %get3A_521 : i32 to index
        %get3A_523 = arith.index_cast %add3A_520 : i32 to index
        %get3A_524 = arith.constant 48 : index
        %get3A_525 = tpu.vector_load %arg6[%get3A_522, %get3A_523, %get3A_524] {strides = array<i32>} : memref<4x200x64xf32, #tpu.memory_space<vmem>>, vector<1x1x16xf32>,
        %get3A_526 = vector.shape_cast %get3A_525 : vector<1x1x16xf32> to vector<16xf32>
        %add3A_527 = arith.addf %scan3A_454, %get3A_526 : vector<16xf32>
        %add3A_528 = arith.constant 2 : i32
        %add3A_529 = arith.addi %mul3A_456, %add3A_528 : i32
        %get3A_530 = arith.constant 0 : i32
        %get3A_531 = arith.index_cast %get3A_530 : i32 to index
        %get3A_532 = arith.index_cast %add3A_529 : i32 to index
        %get3A_533 = arith.constant 0 : index
        %get3A_534 = tpu.vector_load %arg6[%get3A_531, %get3A_532, %get3A_533] {strides = array<i32>} : memref<4x200x64xf32, #tpu.memory_space<vmem>>, vector<1x1x16xf32>,
        %get3A_535 = vector.shape_cast %get3A_534 : vector<1x1x16xf32> to vector<16xf32>
        %add3A_536 = arith.addf %add3A_464, %get3A_535 : vector<16xf32>
        %add3A_537 = arith.constant 2 : i32
        %add3A_538 = arith.addi %mul3A_456, %add3A_537 : i32
        %get3A_539 = arith.constant 0 : i32
        %get3A_540 = arith.index_cast %get3A_539 : i32 to index
        %get3A_541 = arith.index_cast %add3A_538 : i32 to index
        %get3A_542 = arith.constant 16 : index
        %get3A_543 = tpu.vector_load %arg6[%get3A_540, %get3A_541, %get3A_542] {strides = array<i32>} : memref<4x200x64xf32, #tpu.memory_space<vmem>>, vector<1x1x16xf32>,
        %get3A_544 = vector.shape_cast %get3A_543 : vector<1x1x16xf32> to vector<16xf32>
        %add3A_545 = arith.addf %add3A_473, %get3A_544 : vector<16xf32>
        %add3A_546 = arith.constant 2 : i32
        %add3A_547 = arith.addi %mul3A_456, %add3A_546 : i32
        %get3A_548 = arith.constant 0 : i32
        %get3A_549 = arith.index_cast %get3A_548 : i32 to index
        %get3A_550 = arith.index_cast %add3A_547 : i32 to index
        %get3A_551 = arith.constant 32 : index
        %get3A_552 = tpu.vector_load %arg6[%get3A_549, %get3A_550, %get3A_551] {strides = array<i32>} : memref<4x200x64xf32, #tpu.memory_space<vmem>>, vector<1x1x16xf32>,
        %get3A_553 = vector.shape_cast %get3A_552 : vector<1x1x16xf32> to vector<16xf32>
        %add3A_554 = arith.addf %add3A_482, %get3A_553 : vector<16xf32>
        %add3A_555 = arith.constant 2 : i32
        %add3A_556 = arith.addi %mul3A_456, %add3A_555 : i32
        %get3A_557 = arith.constant 0 : i32
        %get3A_558 = arith.index_cast %get3A_557 : i32 to index
        %get3A_559 = arith.index_cast %add3A_556 : i32 to index
        %get3A_560 = arith.constant 48 : index
        %get3A_561 = tpu.vector_load %arg6[%get3A_558, %get3A_559, %get3A_560] {strides = array<i32>} : memref<4x200x64xf32, #tpu.memory_space<vmem>>, vector<1x1x16xf32>,
        %get3A_562 = vector.shape_cast %get3A_561 : vector<1x1x16xf32> to vector<16xf32>
        %add3A_563 = arith.addf %add3A_491, %get3A_562 : vector<16xf32>
        %add3A_564 = arith.constant 3 : i32
        %add3A_565 = arith.addi %mul3A_456, %add3A_564 : i32
        %get3A_566 = arith.constant 0 : i32
        %get3A_567 = arith.index_cast %get3A_566 : i32 to index
        %get3A_568 = arith.index_cast %add3A_565 : i32 to index
        %get3A_569 = arith.constant 0 : index
        %get3A_570 = tpu.vector_load %arg6[%get3A_567, %get3A_568, %get3A_569] {strides = array<i32>} : memref<4x200x64xf32, #tpu.memory_space<vmem>>, vector<1x1x16xf32>,
        %get3A_571 = vector.shape_cast %get3A_570 : vector<1x1x16xf32> to vector<16xf32>
        %add3A_572 = arith.addf %add3A_500, %get3A_571 : vector<16xf32>
        %add3A_573 = arith.constant 3 : i32
        %add3A_574 = arith.addi %mul3A_456, %add3A_573 : i32
        %get3A_575 = arith.constant 0 : i32
        %get3A_576 = arith.index_cast %get3A_575 : i32 to index
        %get3A_577 = arith.index_cast %add3A_574 : i32 to index
        %get3A_578 = arith.constant 16 : index
        %get3A_579 = tpu.vector_load %arg6[%get3A_576, %get3A_577, %get3A_578] {strides = array<i32>} : memref<4x200x64xf32, #tpu.memory_space<vmem>>, vector<1x1x16xf32>,
        %get3A_580 = vector.shape_cast %get3A_579 : vector<1x1x16xf32> to vector<16xf32>
        %add3A_581 = arith.addf %add3A_509, %get3A_580 : vector<16xf32>
        %add3A_582 = arith.constant 3 : i32
        %add3A_583 = arith.addi %mul3A_456, %add3A_582 : i32
        %get3A_584 = arith.constant 0 : i32
        %get3A_585 = arith.index_cast %get3A_584 : i32 to index
        %get3A_586 = arith.index_cast %add3A_583 : i32 to index
        %get3A_587 = arith.constant 32 : index
        %get3A_588 = tpu.vector_load %arg6[%get3A_585, %get3A_586, %get3A_587] {strides = array<i32>} : memref<4x200x64xf32, #tpu.memory_space<vmem>>, vector<1x1x16xf32>,
        %get3A_589 = vector.shape_cast %get3A_588 : vector<1x1x16xf32> to vector<16xf32>
        %add3A_590 = arith.addf %add3A_518, %get3A_589 : vector<16xf32>
        %add3A_591 = arith.constant 3 : i32
        %add3A_592 = arith.addi %mul3A_456, %add3A_591 : i32
        %get3A_593 = arith.constant 0 : i32
        %get3A_594 = arith.index_cast %get3A_593 : i32 to index
        %get3A_595 = arith.index_cast %add3A_592 : i32 to index
        %get3A_596 = arith.constant 48 : index
        %get3A_597 = tpu.vector_load %arg6[%get3A_594, %get3A_595, %get3A_596] {strides = array<i32>} : memref<4x200x64xf32, #tpu.memory_space<vmem>>, vector<1x1x16xf32>,
        %get3A_598 = vector.shape_cast %get3A_597 : vector<1x1x16xf32> to vector<16xf32>
        %add3A_599 = arith.addf %add3A_527, %get3A_598 : vector<16xf32>
        %add3A_600 = arith.constant 4 : i32
        %add3A_601 = arith.addi %mul3A_456, %add3A_600 : i32
        %get3A_602 = arith.constant 0 : i32
        %get3A_603 = arith.index_cast %get3A_602 : i32 to index
        %get3A_604 = arith.index_cast %add3A_601 : i32 to index
        %get3A_605 = arith.constant 0 : index
        %get3A_606 = tpu.vector_load %arg6[%get3A_603, %get3A_604, %get3A_605] {strides = array<i32>} : memref<4x200x64xf32, #tpu.memory_space<vmem>>, vector<1x1x16xf32>,
        %get3A_607 = vector.shape_cast %get3A_606 : vector<1x1x16xf32> to vector<16xf32>
        %add3A_608 = arith.addf %add3A_536, %get3A_607 : vector<16xf32>
        %add3A_609 = arith.constant 4 : i32
        %add3A_610 = arith.addi %mul3A_456, %add3A_609 : i32
        %get3A_611 = arith.constant 0 : i32
        %get3A_612 = arith.index_cast %get3A_611 : i32 to index
        %get3A_613 = arith.index_cast %add3A_610 : i32 to index
        %get3A_614 = arith.constant 16 : index
        %get3A_615 = tpu.vector_load %arg6[%get3A_612, %get3A_613, %get3A_614] {strides = array<i32>} : memref<4x200x64xf32, #tpu.memory_space<vmem>>, vector<1x1x16xf32>,
        %get3A_616 = vector.shape_cast %get3A_615 : vector<1x1x16xf32> to vector<16xf32>
        %add3A_617 = arith.addf %add3A_545, %get3A_616 : vector<16xf32>
        %add3A_618 = arith.constant 4 : i32
        %add3A_619 = arith.addi %mul3A_456, %add3A_618 : i32
        %get3A_620 = arith.constant 0 : i32
        %get3A_621 = arith.index_cast %get3A_620 : i32 to index
        %get3A_622 = arith.index_cast %add3A_619 : i32 to index
        %get3A_623 = arith.constant 32 : index
        %get3A_624 = tpu.vector_load %arg6[%get3A_621, %get3A_622, %get3A_623] {strides = array<i32>} : memref<4x200x64xf32, #tpu.memory_space<vmem>>, vector<1x1x16xf32>,
        %get3A_625 = vector.shape_cast %get3A_624 : vector<1x1x16xf32> to vector<16xf32>
        %add3A_626 = arith.addf %add3A_554, %get3A_625 : vector<16xf32>
        %add3A_627 = arith.constant 4 : i32
        %add3A_628 = arith.addi %mul3A_456, %add3A_627 : i32
        %get3A_629 = arith.constant 0 : i32
        %get3A_630 = arith.index_cast %get3A_629 : i32 to index
        %get3A_631 = arith.index_cast %add3A_628 : i32 to index
        %get3A_632 = arith.constant 48 : index
        %get3A_633 = tpu.vector_load %arg6[%get3A_630, %get3A_631, %get3A_632] {strides = array<i32>} : memref<4x200x64xf32, #tpu.memory_space<vmem>>, vector<1x1x16xf32>,
        %get3A_634 = vector.shape_cast %get3A_633 : vector<1x1x16xf32> to vector<16xf32>
        %add3A_635 = arith.addf %add3A_563, %get3A_634 : vector<16xf32>
        %add3A_636 = arith.constant 5 : i32
        %add3A_637 = arith.addi %mul3A_456, %add3A_636 : i32
        %get3A_638 = arith.constant 0 : i32
        %get3A_639 = arith.index_cast %get3A_638 : i32 to index
        %get3A_640 = arith.index_cast %add3A_637 : i32 to index
        %get3A_641 = arith.constant 0 : index
        %get3A_642 = tpu.vector_load %arg6[%get3A_639, %get3A_640, %get3A_641] {strides = array<i32>} : memref<4x200x64xf32, #tpu.memory_space<vmem>>, vector<1x1x16xf32>,
        %get3A_643 = vector.shape_cast %get3A_642 : vector<1x1x16xf32> to vector<16xf32>
        %add3A_644 = arith.addf %add3A_572, %get3A_643 : vector<16xf32>
        %add3A_645 = arith.constant 5 : i32
        %add3A_646 = arith.addi %mul3A_456, %add3A_645 : i32
        %get3A_647 = arith.constant 0 : i32
        %get3A_648 = arith.index_cast %get3A_647 : i32 to index
        %get3A_649 = arith.index_cast %add3A_646 : i32 to index
        %get3A_650 = arith.constant 16 : index
        %get3A_651 = tpu.vector_load %arg6[%get3A_648, %get3A_649, %get3A_650] {strides = array<i32>} : memref<4x200x64xf32, #tpu.memory_space<vmem>>, vector<1x1x16xf32>,
        %get3A_652 = vector.shape_cast %get3A_651 : vector<1x1x16xf32> to vector<16xf32>
        %add3A_653 = arith.addf %add3A_581, %get3A_652 : vector<16xf32>
        %add3A_654 = arith.constant 5 : i32
        %add3A_655 = arith.addi %mul3A_456, %add3A_654 : i32
        %get3A_656 = arith.constant 0 : i32
        %get3A_657 = arith.index_cast %get3A_656 : i32 to index
        %get3A_658 = arith.index_cast %add3A_655 : i32 to index
        %get3A_659 = arith.constant 32 : index
        %get3A_660 = tpu.vector_load %arg6[%get3A_657, %get3A_658, %get3A_659] {strides = array<i32>} : memref<4x200x64xf32, #tpu.memory_space<vmem>>, vector<1x1x16xf32>,
        %get3A_661 = vector.shape_cast %get3A_660 : vector<1x1x16xf32> to vector<16xf32>
        %add3A_662 = arith.addf %add3A_590, %get3A_661 : vector<16xf32>
        %add3A_663 = arith.constant 5 : i32
        %add3A_664 = arith.addi %mul3A_456, %add3A_663 : i32
        %get3A_665 = arith.constant 0 : i32
        %get3A_666 = arith.index_cast %get3A_665 : i32 to index
        %get3A_667 = arith.index_cast %add3A_664 : i32 to index
        %get3A_668 = arith.constant 48 : index
        %get3A_669 = tpu.vector_load %arg6[%get3A_666, %get3A_667, %get3A_668] {strides = array<i32>} : memref<4x200x64xf32, #tpu.memory_space<vmem>>, vector<1x1x16xf32>,
        %get3A_670 = vector.shape_cast %get3A_669 : vector<1x1x16xf32> to vector<16xf32>
        %add3A_671 = arith.addf %add3A_599, %get3A_670 : vector<16xf32>
        %add3A_672 = arith.constant 6 : i32
        %add3A_673 = arith.addi %mul3A_456, %add3A_672 : i32
        %get3A_674 = arith.constant 0 : i32
        %get3A_675 = arith.index_cast %get3A_674 : i32 to index
        %get3A_676 = arith.index_cast %add3A_673 : i32 to index
        %get3A_677 = arith.constant 0 : index
        %get3A_678 = tpu.vector_load %arg6[%get3A_675, %get3A_676, %get3A_677] {strides = array<i32>} : memref<4x200x64xf32, #tpu.memory_space<vmem>>, vector<1x1x16xf32>,
        %get3A_679 = vector.shape_cast %get3A_678 : vector<1x1x16xf32> to vector<16xf32>
        %add3A_680 = arith.addf %add3A_608, %get3A_679 : vector<16xf32>
        %add3A_681 = arith.constant 6 : i32
        %add3A_682 = arith.addi %mul3A_456, %add3A_681 : i32
        %get3A_683 = arith.constant 0 : i32
        %get3A_684 = arith.index_cast %get3A_683 : i32 to index
        %get3A_685 = arith.index_cast %add3A_682 : i32 to index
        %get3A_686 = arith.constant 16 : index
        %get3A_687 = tpu.vector_load %arg6[%get3A_684, %get3A_685, %get3A_686] {strides = array<i32>} : memref<4x200x64xf32, #tpu.memory_space<vmem>>, vector<1x1x16xf32>,
        %get3A_688 = vector.shape_cast %get3A_687 : vector<1x1x16xf32> to vector<16xf32>
        %add3A_689 = arith.addf %add3A_617, %get3A_688 : vector<16xf32>
        %add3A_690 = arith.constant 6 : i32
        %add3A_691 = arith.addi %mul3A_456, %add3A_690 : i32
        %get3A_692 = arith.constant 0 : i32
        %get3A_693 = arith.index_cast %get3A_692 : i32 to index
        %get3A_694 = arith.index_cast %add3A_691 : i32 to index
        %get3A_695 = arith.constant 32 : index
        %get3A_696 = tpu.vector_load %arg6[%get3A_693, %get3A_694, %get3A_695] {strides = array<i32>} : memref<4x200x64xf32, #tpu.memory_space<vmem>>, vector<1x1x16xf32>,
        %get3A_697 = vector.shape_cast %get3A_696 : vector<1x1x16xf32> to vector<16xf32>
        %add3A_698 = arith.addf %add3A_626, %get3A_697 : vector<16xf32>
        %add3A_699 = arith.constant 6 : i32
        %add3A_700 = arith.addi %mul3A_456, %add3A_699 : i32
        %get3A_701 = arith.constant 0 : i32
        %get3A_702 = arith.index_cast %get3A_701 : i32 to index
        %get3A_703 = arith.index_cast %add3A_700 : i32 to index
        %get3A_704 = arith.constant 48 : index
        %get3A_705 = tpu.vector_load %arg6[%get3A_702, %get3A_703, %get3A_704] {strides = array<i32>} : memref<4x200x64xf32, #tpu.memory_space<vmem>>, vector<1x1x16xf32>,
        %get3A_706 = vector.shape_cast %get3A_705 : vector<1x1x16xf32> to vector<16xf32>
        %add3A_707 = arith.addf %add3A_635, %get3A_706 : vector<16xf32>
        %add3A_708 = arith.constant 7 : i32
        %add3A_709 = arith.addi %mul3A_456, %add3A_708 : i32
        %get3A_710 = arith.constant 0 : i32
        %get3A_711 = arith.index_cast %get3A_710 : i32 to index
        %get3A_712 = arith.index_cast %add3A_709 : i32 to index
        %get3A_713 = arith.constant 0 : index
        %get3A_714 = tpu.vector_load %arg6[%get3A_711, %get3A_712, %get3A_713] {strides = array<i32>} : memref<4x200x64xf32, #tpu.memory_space<vmem>>, vector<1x1x16xf32>,
        %get3A_715 = vector.shape_cast %get3A_714 : vector<1x1x16xf32> to vector<16xf32>
        %add3A_716 = arith.addf %add3A_644, %get3A_715 : vector<16xf32>
        %add3A_717 = arith.constant 7 : i32
        %add3A_718 = arith.addi %mul3A_456, %add3A_717 : i32
        %get3A_719 = arith.constant 0 : i32
        %get3A_720 = arith.index_cast %get3A_719 : i32 to index
        %get3A_721 = arith.index_cast %add3A_718 : i32 to index
        %get3A_722 = arith.constant 16 : index
        %get3A_723 = tpu.vector_load %arg6[%get3A_720, %get3A_721, %get3A_722] {strides = array<i32>} : memref<4x200x64xf32, #tpu.memory_space<vmem>>, vector<1x1x16xf32>,
        %get3A_724 = vector.shape_cast %get3A_723 : vector<1x1x16xf32> to vector<16xf32>
        %add3A_725 = arith.addf %add3A_653, %get3A_724 : vector<16xf32>
        %add3A_726 = arith.constant 7 : i32
        %add3A_727 = arith.addi %mul3A_456, %add3A_726 : i32
        %get3A_728 = arith.constant 0 : i32
        %get3A_729 = arith.index_cast %get3A_728 : i32 to index
        %get3A_730 = arith.index_cast %add3A_727 : i32 to index
        %get3A_731 = arith.constant 32 : index
        %get3A_732 = tpu.vector_load %arg6[%get3A_729, %get3A_730, %get3A_731] {strides = array<i32>} : memref<4x200x64xf32, #tpu.memory_space<vmem>>, vector<1x1x16xf32>,
        %get3A_733 = vector.shape_cast %get3A_732 : vector<1x1x16xf32> to vector<16xf32>
        %add3A_734 = arith.addf %add3A_662, %get3A_733 : vector<16xf32>
        %add3A_735 = arith.constant 7 : i32
        %add3A_736 = arith.addi %mul3A_456, %add3A_735 : i32
        %get3A_737 = arith.constant 0 : i32
        %get3A_738 = arith.index_cast %get3A_737 : i32 to index
        %get3A_739 = arith.index_cast %add3A_736 : i32 to index
        %get3A_740 = arith.constant 48 : index
        %get3A_741 = tpu.vector_load %arg6[%get3A_738, %get3A_739, %get3A_740] {strides = array<i32>} : memref<4x200x64xf32, #tpu.memory_space<vmem>>, vector<1x1x16xf32>,
        %get3A_742 = vector.shape_cast %get3A_741 : vector<1x1x16xf32> to vector<16xf32>
        %add3A_743 = arith.addf %add3A_671, %get3A_742 : vector<16xf32>
        scf.yield %add3A_680, %add3A_689, %add3A_698, %add3A_707, %add3A_716, %add3A_725, %add3A_734, %add3A_743 : vector<16xf32>, vector<16xf32>, vector<16xf32>, vector<16xf32>, vector<16xf32>, vector<16xf32>, vector<16xf32>, vector<16xf32>
      }
      %scan3A_157 = arith.constant 25 : i32
      %add3A_158 = arith.addf %scan3A_156#0, %scan3A_156#4 : vector<16xf32>
      %swap3A = arith.index_cast %add3A_107 : i32 to index
      %swap3A_159 = arith.constant 0 : index
      %swap3A_160 = tpu.vector_load %arg7[%swap3A, %swap3A_159] {strides = array<i32>} : memref<128x64xf32, #tpu.memory_space<vmem>>, vector<1x16xf32>,
      %swap3A_161 = vector.shape_cast %swap3A_160 : vector<1x16xf32> to vector<16xf32>
      %swap3A_162 = vector.shape_cast %add3A_158 : vector<16xf32> to vector<1x16xf32>
      tpu.vector_store %arg7[%swap3A, %swap3A_159], %swap3A_162 {strides = array<i32>} : memref<128x64xf32, #tpu.memory_space<vmem>>, vector<1x16xf32>,
      %add3A_163 = arith.addf %scan3A_156#1, %scan3A_156#5 : vector<16xf32>
      %swap3A_164 = arith.index_cast %add3A_107 : i32 to index
      %swap3A_165 = arith.constant 16 : index
      %swap3A_166 = tpu.vector_load %arg7[%swap3A_164, %swap3A_165] {strides = array<i32>} : memref<128x64xf32, #tpu.memory_space<vmem>>, vector<1x16xf32>,
      %swap3A_167 = vector.shape_cast %swap3A_166 : vector<1x16xf32> to vector<16xf32>
      %swap3A_168 = vector.shape_cast %add3A_163 : vector<16xf32> to vector<1x16xf32>
      tpu.vector_store %arg7[%swap3A_164, %swap3A_165], %swap3A_168 {strides = array<i32>} : memref<128x64xf32, #tpu.memory_space<vmem>>, vector<1x16xf32>,
      %add3A_169 = arith.addf %scan3A_156#2, %scan3A_156#6 : vector<16xf32>
      %swap3A_170 = arith.index_cast %add3A_107 : i32 to index
      %swap3A_171 = arith.constant 32 : index
      %swap3A_172 = tpu.vector_load %arg7[%swap3A_170, %swap3A_171] {strides = array<i32>} : memref<128x64xf32, #tpu.memory_space<vmem>>, vector<1x16xf32>,
      %swap3A_173 = vector.shape_cast %swap3A_172 : vector<1x16xf32> to vector<16xf32>
      %swap3A_174 = vector.shape_cast %add3A_169 : vector<16xf32> to vector<1x16xf32>
      tpu.vector_store %arg7[%swap3A_170, %swap3A_171], %swap3A_174 {strides = array<i32>} : memref<128x64xf32, #tpu.memory_space<vmem>>, vector<1x16xf32>,
      %add3A_175 = arith.addf %scan3A_156#3, %scan3A_156#7 : vector<16xf32>
      %swap3A_176 = arith.index_cast %add3A_107 : i32 to index
      %swap3A_177 = arith.constant 48 : index
      %swap3A_178 = tpu.vector_load %arg7[%swap3A_176, %swap3A_177] {strides = array<i32>} : memref<128x64xf32, #tpu.memory_space<vmem>>, vector<1x16xf32>,
      %swap3A_179 = vector.shape_cast %swap3A_178 : vector<1x16xf32> to vector<16xf32>
      %swap3A_180 = vector.shape_cast %add3A_175 : vector<16xf32> to vector<1x16xf32>
      tpu.vector_store %arg7[%swap3A_176, %swap3A_177], %swap3A_180 {strides = array<i32>} : memref<128x64xf32, #tpu.memory_space<vmem>>, vector<1x16xf32>,
      %add3A_181 = arith.constant 4 : i32
      %add3A_182 = arith.addi %add3A_107, %add3A_181 : i32
      %lt3A = arith.constant 128 : i32
      %lt3A_183 = arith.cmpi slt, %add3A_182, %lt3A : i32
      %convert_element_type3A = arith.extui %lt3A_183 : i1 to i32
      %cond3A = arith.constant 0 : i32
      %cond3A_184 = arith.cmpi ne, %convert_element_type3A, %cond3A : i32
      scf.if %cond3A_184 {
        %add3A_446 = arith.constant 4 : i32
        %add3A_447 = arith.addi %add3A_107, %add3A_446 : i32
        %dma_start3A_448 = arith.constant 0 : i32
        %dma_start3A_449 = arith.constant 0 : i32
        %dma_start3A_450 = arith.constant 0 : i32
        %dma_start3A_451 = tpu.memref_slice %arg6[%dma_start3A_448, %dma_start3A_449, %dma_start3A_450] : memref<4x200x64xf32, #tpu.memory_space<vmem>> -> memref<1x104x64xf32, #tpu.memory_space<vmem>>
        %dma_start3A_452 = tpu.memref_squeeze %dma_start3A_451 : memref<1x104x64xf32, #tpu.memory_space<vmem>> -> memref<104x64xf32, #tpu.memory_space<vmem>>
        %dma_start3A_453 = arith.constant 0 : i32
        %dma_start3A_454 = tpu.memref_slice %arg5[%add3A_447, %dma_start3A_453] : memref<128x200xi32, #tpu.memory_space<vmem>> -> memref<1x104xi32, #tpu.memory_space<vmem>>
        %dma_start3A_455 = tpu.memref_squeeze %dma_start3A_454 : memref<1x104xi32, #tpu.memory_space<vmem>> -> memref<104xi32, #tpu.memory_space<vmem>>
        %dma_start3A_456 = arith.constant 0 : i32
        %dma_start3A_457 = arith.constant 0 : i32
        %dma_start3A_458 = tpu.memref_slice %arg3[%dma_start3A_456, %dma_start3A_457] : memref<1000000x64xf32, #tpu.memory_space<hbm>> -> memref<1000000x64xf32, #tpu.memory_space<hbm>>
        tpu.enqueue_indirect_dma source(%dma_start3A_458 : memref<1000000x64xf32, #tpu.memory_space<hbm>>) target(%dma_start3A_452 : memref<104x64xf32, #tpu.memory_space<vmem>>) offsets(%dma_start3A_455 : memref<104xi32, #tpu.memory_space<vmem>>) semaphore(%arg8 : memref<!tpu.dma_semaphore, #tpu.memory_space<semaphore_mem>>)
        %dma_start3A_459 = arith.constant 0 : i32
        %dma_start3A_460 = arith.constant 104 : i32
        %dma_start3A_461 = arith.constant 0 : i32
        %dma_start3A_462 = tpu.memref_slice %arg6[%dma_start3A_459, %dma_start3A_460, %dma_start3A_461] : memref<4x200x64xf32, #tpu.memory_space<vmem>> -> memref<1x96x64xf32, #tpu.memory_space<vmem>>
        %dma_start3A_463 = tpu.memref_squeeze %dma_start3A_462 : memref<1x96x64xf32, #tpu.memory_space<vmem>> -> memref<96x64xf32, #tpu.memory_space<vmem>>
        %dma_start3A_464 = arith.constant 104 : i32
        %dma_start3A_465 = tpu.memref_slice %arg5[%add3A_447, %dma_start3A_464] : memref<128x200xi32, #tpu.memory_space<vmem>> -> memref<1x96xi32, #tpu.memory_space<vmem>>
        %dma_start3A_466 = tpu.memref_squeeze %dma_start3A_465 : memref<1x96xi32, #tpu.memory_space<vmem>> -> memref<96xi32, #tpu.memory_space<vmem>>
        %dma_start3A_467 = arith.constant 0 : i32
        %dma_start3A_468 = arith.constant 0 : i32
        %dma_start3A_469 = tpu.memref_slice %arg3[%dma_start3A_467, %dma_start3A_468] : memref<1000000x64xf32, #tpu.memory_space<hbm>> -> memref<1000000x64xf32, #tpu.memory_space<hbm>>
        tpu.enqueue_indirect_dma source(%dma_start3A_469 : memref<1000000x64xf32, #tpu.memory_space<hbm>>) target(%dma_start3A_463 : memref<96x64xf32, #tpu.memory_space<vmem>>) offsets(%dma_start3A_466 : memref<96xi32, #tpu.memory_space<vmem>>) semaphore(%arg8 : memref<!tpu.dma_semaphore, #tpu.memory_space<semaphore_mem>>)
      } else {
      }
      %mul3A_185 = arith.constant 4 : i32
      %mul3A_186 = arith.muli %scan3A_103, %mul3A_185 : i32
      %add3A_187 = arith.constant 1 : i32
      %add3A_188 = arith.addi %mul3A_186, %add3A_187 : i32
      %dma_wait3A_189 = arith.constant 1 : i32
      %dma_wait3A_190 = arith.constant 0 : i32
      %dma_wait3A_191 = arith.constant 0 : i32
      %dma_wait3A_192 = tpu.memref_slice %arg6[%dma_wait3A_189, %dma_wait3A_190, %dma_wait3A_191] : memref<4x200x64xf32, #tpu.memory_space<vmem>> -> memref<1x104x64xf32, #tpu.memory_space<vmem>>
      %dma_wait3A_193 = tpu.memref_squeeze %dma_wait3A_192 : memref<1x104x64xf32, #tpu.memory_space<vmem>> -> memref<104x64xf32, #tpu.memory_space<vmem>>
      %dma_wait3A_194 = arith.constant 0 : i32
      %dma_wait3A_195 = arith.constant 0 : i32
      %dma_wait3A_196 = tpu.memref_slice %arg3[%dma_wait3A_194, %dma_wait3A_195] : memref<1000000x64xf32, #tpu.memory_space<hbm>> -> memref<104x64xf32, #tpu.memory_space<hbm>>
      %dma_wait3A_197 = arith.constant 0 : i32
      %dma_wait3A_198 = arith.constant 0 : i32
      %dma_wait3A_199 = tpu.memref_slice %arg6[%dma_wait3A_189, %dma_wait3A_197, %dma_wait3A_198] : memref<4x200x64xf32, #tpu.memory_space<vmem>> -> memref<1x104x64xf32, #tpu.memory_space<vmem>>
      %dma_wait3A_200 = tpu.memref_squeeze %dma_wait3A_199 : memref<1x104x64xf32, #tpu.memory_space<vmem>> -> memref<104x64xf32, #tpu.memory_space<vmem>>
      %dma_wait3A_201 = arith.constant 0 : i32
      %dma_wait3A_202 = arith.constant 0 : i32
      %dma_wait3A_203 = tpu.memref_slice %arg3[%dma_wait3A_201, %dma_wait3A_202] : memref<1000000x64xf32, #tpu.memory_space<hbm>> -> memref<104x64xf32, #tpu.memory_space<hbm>>
      tpu.wait_dma2 semaphore(%arg9 : memref<!tpu.dma_semaphore, #tpu.memory_space<semaphore_mem>>) src(%dma_wait3A_203 : memref<104x64xf32, #tpu.memory_space<hbm>>) dst(%dma_wait3A_200 : memref<104x64xf32, #tpu.memory_space<vmem>>)
      %dma_wait3A_204 = arith.constant 1 : i32
      %dma_wait3A_205 = arith.constant 104 : i32
      %dma_wait3A_206 = arith.constant 0 : i32
      %dma_wait3A_207 = tpu.memref_slice %arg6[%dma_wait3A_204, %dma_wait3A_205, %dma_wait3A_206] : memref<4x200x64xf32, #tpu.memory_space<vmem>> -> memref<1x96x64xf32, #tpu.memory_space<vmem>>
      %dma_wait3A_208 = tpu.memref_squeeze %dma_wait3A_207 : memref<1x96x64xf32, #tpu.memory_space<vmem>> -> memref<96x64xf32, #tpu.memory_space<vmem>>
      %dma_wait3A_209 = arith.constant 0 : i32
      %dma_wait3A_210 = arith.constant 0 : i32
      %dma_wait3A_211 = tpu.memref_slice %arg3[%dma_wait3A_209, %dma_wait3A_210] : memref<1000000x64xf32, #tpu.memory_space<hbm>> -> memref<96x64xf32, #tpu.memory_space<hbm>>
      %dma_wait3A_212 = arith.constant 104 : i32
      %dma_wait3A_213 = arith.constant 0 : i32
      %dma_wait3A_214 = tpu.memref_slice %arg6[%dma_wait3A_204, %dma_wait3A_212, %dma_wait3A_213] : memref<4x200x64xf32, #tpu.memory_space<vmem>> -> memref<1x96x64xf32, #tpu.memory_space<vmem>>
      %dma_wait3A_215 = tpu.memref_squeeze %dma_wait3A_214 : memref<1x96x64xf32, #tpu.memory_space<vmem>> -> memref<96x64xf32, #tpu.memory_space<vmem>>
      %dma_wait3A_216 = arith.constant 0 : i32
      %dma_wait3A_217 = arith.constant 0 : i32
      %dma_wait3A_218 = tpu.memref_slice %arg3[%dma_wait3A_216, %dma_wait3A_217] : memref<1000000x64xf32, #tpu.memory_space<hbm>> -> memref<96x64xf32, #tpu.memory_space<hbm>>
      tpu.wait_dma2 semaphore(%arg9 : memref<!tpu.dma_semaphore, #tpu.memory_space<semaphore_mem>>) src(%dma_wait3A_218 : memref<96x64xf32, #tpu.memory_space<hbm>>) dst(%dma_wait3A_215 : memref<96x64xf32, #tpu.memory_space<vmem>>)
      %broadcast_in_dim3A_219 = arith.constant 0.000000e+00 : f32
      %broadcast_in_dim3A_220 = vector.broadcast %broadcast_in_dim3A_219 : f32 to vector<16xf32>
      %broadcast_in_dim3A_221 = arith.constant 0.000000e+00 : f32
      %broadcast_in_dim3A_222 = vector.broadcast %broadcast_in_dim3A_221 : f32 to vector<16xf32>
      %broadcast_in_dim3A_223 = arith.constant 0.000000e+00 : f32
      %broadcast_in_dim3A_224 = vector.broadcast %broadcast_in_dim3A_223 : f32 to vector<16xf32>
      %broadcast_in_dim3A_225 = arith.constant 0.000000e+00 : f32
      %broadcast_in_dim3A_226 = vector.broadcast %broadcast_in_dim3A_225 : f32 to vector<16xf32>
      %broadcast_in_dim3A_227 = arith.constant 0.000000e+00 : f32
      %broadcast_in_dim3A_228 = vector.broadcast %broadcast_in_dim3A_227 : f32 to vector<16xf32>
      %broadcast_in_dim3A_229 = arith.constant 0.000000e+00 : f32
      %broadcast_in_dim3A_230 = vector.broadcast %broadcast_in_dim3A_229 : f32 to vector<16xf32>
      %broadcast_in_dim3A_231 = arith.constant 0.000000e+00 : f32
      %broadcast_in_dim3A_232 = vector.broadcast %broadcast_in_dim3A_231 : f32 to vector<16xf32>
      %broadcast_in_dim3A_233 = arith.constant 0.000000e+00 : f32
      %broadcast_in_dim3A_234 = vector.broadcast %broadcast_in_dim3A_233 : f32 to vector<16xf32>
      %scan3A_235 = arith.constant 0 : i32
      %scan3A_236 = arith.constant 25 : i32
      %scan3A_237 = arith.addi %scan3A_235, %scan3A_236 : i32
      %scan3A_238 = arith.constant 1 : i32
      %scan3A_239:8 = scf.for %scan3A_446 = %scan3A_235 to %scan3A_237 step %scan3A_238 iter_args(%scan3A_447 = %broadcast_in_dim3A_220, %scan3A_448 = %broadcast_in_dim3A_222, %scan3A_449 = %broadcast_in_dim3A_224, %scan3A_450 = %broadcast_in_dim3A_226, %scan3A_451 = %broadcast_in_dim3A_228, %scan3A_452 = %broadcast_in_dim3A_230, %scan3A_453 = %broadcast_in_dim3A_232, %scan3A_454 = %broadcast_in_dim3A_234) -> (vector<16xf32>, vector<16xf32>, vector<16xf32>, vector<16xf32>, vector<16xf32>, vector<16xf32>, vector<16xf32>, vector<16xf32>)  : i32 {
        %mul3A_455 = arith.constant 8 : i32
        %mul3A_456 = arith.muli %scan3A_446, %mul3A_455 : i32
        %add3A_457 = arith.constant 0 : i32
        %add3A_458 = arith.addi %mul3A_456, %add3A_457 : i32
        %get3A = arith.constant 1 : i32
        %get3A_459 = arith.index_cast %get3A : i32 to index
        %get3A_460 = arith.index_cast %add3A_458 : i32 to index
        %get3A_461 = arith.constant 0 : index
        %get3A_462 = tpu.vector_load %arg6[%get3A_459, %get3A_460, %get3A_461] {strides = array<i32>} : memref<4x200x64xf32, #tpu.memory_space<vmem>>, vector<1x1x16xf32>,
        %get3A_463 = vector.shape_cast %get3A_462 : vector<1x1x16xf32> to vector<16xf32>
        %add3A_464 = arith.addf %scan3A_447, %get3A_463 : vector<16xf32>
        %add3A_465 = arith.constant 0 : i32
        %add3A_466 = arith.addi %mul3A_456, %add3A_465 : i32
        %get3A_467 = arith.constant 1 : i32
        %get3A_468 = arith.index_cast %get3A_467 : i32 to index
        %get3A_469 = arith.index_cast %add3A_466 : i32 to index
        %get3A_470 = arith.constant 16 : index
        %get3A_471 = tpu.vector_load %arg6[%get3A_468, %get3A_469, %get3A_470] {strides = array<i32>} : memref<4x200x64xf32, #tpu.memory_space<vmem>>, vector<1x1x16xf32>,
        %get3A_472 = vector.shape_cast %get3A_471 : vector<1x1x16xf32> to vector<16xf32>
        %add3A_473 = arith.addf %scan3A_448, %get3A_472 : vector<16xf32>
        %add3A_474 = arith.constant 0 : i32
        %add3A_475 = arith.addi %mul3A_456, %add3A_474 : i32
        %get3A_476 = arith.constant 1 : i32
        %get3A_477 = arith.index_cast %get3A_476 : i32 to index
        %get3A_478 = arith.index_cast %add3A_475 : i32 to index
        %get3A_479 = arith.constant 32 : index
        %get3A_480 = tpu.vector_load %arg6[%get3A_477, %get3A_478, %get3A_479] {strides = array<i32>} : memref<4x200x64xf32, #tpu.memory_space<vmem>>, vector<1x1x16xf32>,
        %get3A_481 = vector.shape_cast %get3A_480 : vector<1x1x16xf32> to vector<16xf32>
        %add3A_482 = arith.addf %scan3A_449, %get3A_481 : vector<16xf32>
        %add3A_483 = arith.constant 0 : i32
        %add3A_484 = arith.addi %mul3A_456, %add3A_483 : i32
        %get3A_485 = arith.constant 1 : i32
        %get3A_486 = arith.index_cast %get3A_485 : i32 to index
        %get3A_487 = arith.index_cast %add3A_484 : i32 to index
        %get3A_488 = arith.constant 48 : index
        %get3A_489 = tpu.vector_load %arg6[%get3A_486, %get3A_487, %get3A_488] {strides = array<i32>} : memref<4x200x64xf32, #tpu.memory_space<vmem>>, vector<1x1x16xf32>,
        %get3A_490 = vector.shape_cast %get3A_489 : vector<1x1x16xf32> to vector<16xf32>
        %add3A_491 = arith.addf %scan3A_450, %get3A_490 : vector<16xf32>
        %add3A_492 = arith.constant 1 : i32
        %add3A_493 = arith.addi %mul3A_456, %add3A_492 : i32
        %get3A_494 = arith.constant 1 : i32
        %get3A_495 = arith.index_cast %get3A_494 : i32 to index
        %get3A_496 = arith.index_cast %add3A_493 : i32 to index
        %get3A_497 = arith.constant 0 : index
        %get3A_498 = tpu.vector_load %arg6[%get3A_495, %get3A_496, %get3A_497] {strides = array<i32>} : memref<4x200x64xf32, #tpu.memory_space<vmem>>, vector<1x1x16xf32>,
        %get3A_499 = vector.shape_cast %get3A_498 : vector<1x1x16xf32> to vector<16xf32>
        %add3A_500 = arith.addf %scan3A_451, %get3A_499 : vector<16xf32>
        %add3A_501 = arith.constant 1 : i32
        %add3A_502 = arith.addi %mul3A_456, %add3A_501 : i32
        %get3A_503 = arith.constant 1 : i32
        %get3A_504 = arith.index_cast %get3A_503 : i32 to index
        %get3A_505 = arith.index_cast %add3A_502 : i32 to index
        %get3A_506 = arith.constant 16 : index
        %get3A_507 = tpu.vector_load %arg6[%get3A_504, %get3A_505, %get3A_506] {strides = array<i32>} : memref<4x200x64xf32, #tpu.memory_space<vmem>>, vector<1x1x16xf32>,
        %get3A_508 = vector.shape_cast %get3A_507 : vector<1x1x16xf32> to vector<16xf32>
        %add3A_509 = arith.addf %scan3A_452, %get3A_508 : vector<16xf32>
        %add3A_510 = arith.constant 1 : i32
        %add3A_511 = arith.addi %mul3A_456, %add3A_510 : i32
        %get3A_512 = arith.constant 1 : i32
        %get3A_513 = arith.index_cast %get3A_512 : i32 to index
        %get3A_514 = arith.index_cast %add3A_511 : i32 to index
        %get3A_515 = arith.constant 32 : index
        %get3A_516 = tpu.vector_load %arg6[%get3A_513, %get3A_514, %get3A_515] {strides = array<i32>} : memref<4x200x64xf32, #tpu.memory_space<vmem>>, vector<1x1x16xf32>,
        %get3A_517 = vector.shape_cast %get3A_516 : vector<1x1x16xf32> to vector<16xf32>
        %add3A_518 = arith.addf %scan3A_453, %get3A_517 : vector<16xf32>
        %add3A_519 = arith.constant 1 : i32
        %add3A_520 = arith.addi %mul3A_456, %add3A_519 : i32
        %get3A_521 = arith.constant 1 : i32
        %get3A_522 = arith.index_cast %get3A_521 : i32 to index
        %get3A_523 = arith.index_cast %add3A_520 : i32 to index
        %get3A_524 = arith.constant 48 : index
        %get3A_525 = tpu.vector_load %arg6[%get3A_522, %get3A_523, %get3A_524] {strides = array<i32>} : memref<4x200x64xf32, #tpu.memory_space<vmem>>, vector<1x1x16xf32>,
        %get3A_526 = vector.shape_cast %get3A_525 : vector<1x1x16xf32> to vector<16xf32>
        %add3A_527 = arith.addf %scan3A_454, %get3A_526 : vector<16xf32>
        %add3A_528 = arith.constant 2 : i32
        %add3A_529 = arith.addi %mul3A_456, %add3A_528 : i32
        %get3A_530 = arith.constant 1 : i32
        %get3A_531 = arith.index_cast %get3A_530 : i32 to index
        %get3A_532 = arith.index_cast %add3A_529 : i32 to index
        %get3A_533 = arith.constant 0 : index
        %get3A_534 = tpu.vector_load %arg6[%get3A_531, %get3A_532, %get3A_533] {strides = array<i32>} : memref<4x200x64xf32, #tpu.memory_space<vmem>>, vector<1x1x16xf32>,
        %get3A_535 = vector.shape_cast %get3A_534 : vector<1x1x16xf32> to vector<16xf32>
        %add3A_536 = arith.addf %add3A_464, %get3A_535 : vector<16xf32>
        %add3A_537 = arith.constant 2 : i32
        %add3A_538 = arith.addi %mul3A_456, %add3A_537 : i32
        %get3A_539 = arith.constant 1 : i32
        %get3A_540 = arith.index_cast %get3A_539 : i32 to index
        %get3A_541 = arith.index_cast %add3A_538 : i32 to index
        %get3A_542 = arith.constant 16 : index
        %get3A_543 = tpu.vector_load %arg6[%get3A_540, %get3A_541, %get3A_542] {strides = array<i32>} : memref<4x200x64xf32, #tpu.memory_space<vmem>>, vector<1x1x16xf32>,
        %get3A_544 = vector.shape_cast %get3A_543 : vector<1x1x16xf32> to vector<16xf32>
        %add3A_545 = arith.addf %add3A_473, %get3A_544 : vector<16xf32>
        %add3A_546 = arith.constant 2 : i32
        %add3A_547 = arith.addi %mul3A_456, %add3A_546 : i32
        %get3A_548 = arith.constant 1 : i32
        %get3A_549 = arith.index_cast %get3A_548 : i32 to index
        %get3A_550 = arith.index_cast %add3A_547 : i32 to index
        %get3A_551 = arith.constant 32 : index
        %get3A_552 = tpu.vector_load %arg6[%get3A_549, %get3A_550, %get3A_551] {strides = array<i32>} : memref<4x200x64xf32, #tpu.memory_space<vmem>>, vector<1x1x16xf32>,
        %get3A_553 = vector.shape_cast %get3A_552 : vector<1x1x16xf32> to vector<16xf32>
        %add3A_554 = arith.addf %add3A_482, %get3A_553 : vector<16xf32>
        %add3A_555 = arith.constant 2 : i32
        %add3A_556 = arith.addi %mul3A_456, %add3A_555 : i32
        %get3A_557 = arith.constant 1 : i32
        %get3A_558 = arith.index_cast %get3A_557 : i32 to index
        %get3A_559 = arith.index_cast %add3A_556 : i32 to index
        %get3A_560 = arith.constant 48 : index
        %get3A_561 = tpu.vector_load %arg6[%get3A_558, %get3A_559, %get3A_560] {strides = array<i32>} : memref<4x200x64xf32, #tpu.memory_space<vmem>>, vector<1x1x16xf32>,
        %get3A_562 = vector.shape_cast %get3A_561 : vector<1x1x16xf32> to vector<16xf32>
        %add3A_563 = arith.addf %add3A_491, %get3A_562 : vector<16xf32>
        %add3A_564 = arith.constant 3 : i32
        %add3A_565 = arith.addi %mul3A_456, %add3A_564 : i32
        %get3A_566 = arith.constant 1 : i32
        %get3A_567 = arith.index_cast %get3A_566 : i32 to index
        %get3A_568 = arith.index_cast %add3A_565 : i32 to index
        %get3A_569 = arith.constant 0 : index
        %get3A_570 = tpu.vector_load %arg6[%get3A_567, %get3A_568, %get3A_569] {strides = array<i32>} : memref<4x200x64xf32, #tpu.memory_space<vmem>>, vector<1x1x16xf32>,
        %get3A_571 = vector.shape_cast %get3A_570 : vector<1x1x16xf32> to vector<16xf32>
        %add3A_572 = arith.addf %add3A_500, %get3A_571 : vector<16xf32>
        %add3A_573 = arith.constant 3 : i32
        %add3A_574 = arith.addi %mul3A_456, %add3A_573 : i32
        %get3A_575 = arith.constant 1 : i32
        %get3A_576 = arith.index_cast %get3A_575 : i32 to index
        %get3A_577 = arith.index_cast %add3A_574 : i32 to index
        %get3A_578 = arith.constant 16 : index
        %get3A_579 = tpu.vector_load %arg6[%get3A_576, %get3A_577, %get3A_578] {strides = array<i32>} : memref<4x200x64xf32, #tpu.memory_space<vmem>>, vector<1x1x16xf32>,
        %get3A_580 = vector.shape_cast %get3A_579 : vector<1x1x16xf32> to vector<16xf32>
        %add3A_581 = arith.addf %add3A_509, %get3A_580 : vector<16xf32>
        %add3A_582 = arith.constant 3 : i32
        %add3A_583 = arith.addi %mul3A_456, %add3A_582 : i32
        %get3A_584 = arith.constant 1 : i32
        %get3A_585 = arith.index_cast %get3A_584 : i32 to index
        %get3A_586 = arith.index_cast %add3A_583 : i32 to index
        %get3A_587 = arith.constant 32 : index
        %get3A_588 = tpu.vector_load %arg6[%get3A_585, %get3A_586, %get3A_587] {strides = array<i32>} : memref<4x200x64xf32, #tpu.memory_space<vmem>>, vector<1x1x16xf32>,
        %get3A_589 = vector.shape_cast %get3A_588 : vector<1x1x16xf32> to vector<16xf32>
        %add3A_590 = arith.addf %add3A_518, %get3A_589 : vector<16xf32>
        %add3A_591 = arith.constant 3 : i32
        %add3A_592 = arith.addi %mul3A_456, %add3A_591 : i32
        %get3A_593 = arith.constant 1 : i32
        %get3A_594 = arith.index_cast %get3A_593 : i32 to index
        %get3A_595 = arith.index_cast %add3A_592 : i32 to index
        %get3A_596 = arith.constant 48 : index
        %get3A_597 = tpu.vector_load %arg6[%get3A_594, %get3A_595, %get3A_596] {strides = array<i32>} : memref<4x200x64xf32, #tpu.memory_space<vmem>>, vector<1x1x16xf32>,
        %get3A_598 = vector.shape_cast %get3A_597 : vector<1x1x16xf32> to vector<16xf32>
        %add3A_599 = arith.addf %add3A_527, %get3A_598 : vector<16xf32>
        %add3A_600 = arith.constant 4 : i32
        %add3A_601 = arith.addi %mul3A_456, %add3A_600 : i32
        %get3A_602 = arith.constant 1 : i32
        %get3A_603 = arith.index_cast %get3A_602 : i32 to index
        %get3A_604 = arith.index_cast %add3A_601 : i32 to index
        %get3A_605 = arith.constant 0 : index
        %get3A_606 = tpu.vector_load %arg6[%get3A_603, %get3A_604, %get3A_605] {strides = array<i32>} : memref<4x200x64xf32, #tpu.memory_space<vmem>>, vector<1x1x16xf32>,
        %get3A_607 = vector.shape_cast %get3A_606 : vector<1x1x16xf32> to vector<16xf32>
        %add3A_608 = arith.addf %add3A_536, %get3A_607 : vector<16xf32>
        %add3A_609 = arith.constant 4 : i32
        %add3A_610 = arith.addi %mul3A_456, %add3A_609 : i32
        %get3A_611 = arith.constant 1 : i32
        %get3A_612 = arith.index_cast %get3A_611 : i32 to index
        %get3A_613 = arith.index_cast %add3A_610 : i32 to index
        %get3A_614 = arith.constant 16 : index
        %get3A_615 = tpu.vector_load %arg6[%get3A_612, %get3A_613, %get3A_614] {strides = array<i32>} : memref<4x200x64xf32, #tpu.memory_space<vmem>>, vector<1x1x16xf32>,
        %get3A_616 = vector.shape_cast %get3A_615 : vector<1x1x16xf32> to vector<16xf32>
        %add3A_617 = arith.addf %add3A_545, %get3A_616 : vector<16xf32>
        %add3A_618 = arith.constant 4 : i32
        %add3A_619 = arith.addi %mul3A_456, %add3A_618 : i32
        %get3A_620 = arith.constant 1 : i32
        %get3A_621 = arith.index_cast %get3A_620 : i32 to index
        %get3A_622 = arith.index_cast %add3A_619 : i32 to index
        %get3A_623 = arith.constant 32 : index
        %get3A_624 = tpu.vector_load %arg6[%get3A_621, %get3A_622, %get3A_623] {strides = array<i32>} : memref<4x200x64xf32, #tpu.memory_space<vmem>>, vector<1x1x16xf32>,
        %get3A_625 = vector.shape_cast %get3A_624 : vector<1x1x16xf32> to vector<16xf32>
        %add3A_626 = arith.addf %add3A_554, %get3A_625 : vector<16xf32>
        %add3A_627 = arith.constant 4 : i32
        %add3A_628 = arith.addi %mul3A_456, %add3A_627 : i32
        %get3A_629 = arith.constant 1 : i32
        %get3A_630 = arith.index_cast %get3A_629 : i32 to index
        %get3A_631 = arith.index_cast %add3A_628 : i32 to index
        %get3A_632 = arith.constant 48 : index
        %get3A_633 = tpu.vector_load %arg6[%get3A_630, %get3A_631, %get3A_632] {strides = array<i32>} : memref<4x200x64xf32, #tpu.memory_space<vmem>>, vector<1x1x16xf32>,
        %get3A_634 = vector.shape_cast %get3A_633 : vector<1x1x16xf32> to vector<16xf32>
        %add3A_635 = arith.addf %add3A_563, %get3A_634 : vector<16xf32>
        %add3A_636 = arith.constant 5 : i32
        %add3A_637 = arith.addi %mul3A_456, %add3A_636 : i32
        %get3A_638 = arith.constant 1 : i32
        %get3A_639 = arith.index_cast %get3A_638 : i32 to index
        %get3A_640 = arith.index_cast %add3A_637 : i32 to index
        %get3A_641 = arith.constant 0 : index
        %get3A_642 = tpu.vector_load %arg6[%get3A_639, %get3A_640, %get3A_641] {strides = array<i32>} : memref<4x200x64xf32, #tpu.memory_space<vmem>>, vector<1x1x16xf32>,
        %get3A_643 = vector.shape_cast %get3A_642 : vector<1x1x16xf32> to vector<16xf32>
        %add3A_644 = arith.addf %add3A_572, %get3A_643 : vector<16xf32>
        %add3A_645 = arith.constant 5 : i32
        %add3A_646 = arith.addi %mul3A_456, %add3A_645 : i32
        %get3A_647 = arith.constant 1 : i32
        %get3A_648 = arith.index_cast %get3A_647 : i32 to index
        %get3A_649 = arith.index_cast %add3A_646 : i32 to index
        %get3A_650 = arith.constant 16 : index
        %get3A_651 = tpu.vector_load %arg6[%get3A_648, %get3A_649, %get3A_650] {strides = array<i32>} : memref<4x200x64xf32, #tpu.memory_space<vmem>>, vector<1x1x16xf32>,
        %get3A_652 = vector.shape_cast %get3A_651 : vector<1x1x16xf32> to vector<16xf32>
        %add3A_653 = arith.addf %add3A_581, %get3A_652 : vector<16xf32>
        %add3A_654 = arith.constant 5 : i32
        %add3A_655 = arith.addi %mul3A_456, %add3A_654 : i32
        %get3A_656 = arith.constant 1 : i32
        %get3A_657 = arith.index_cast %get3A_656 : i32 to index
        %get3A_658 = arith.index_cast %add3A_655 : i32 to index
        %get3A_659 = arith.constant 32 : index
        %get3A_660 = tpu.vector_load %arg6[%get3A_657, %get3A_658, %get3A_659] {strides = array<i32>} : memref<4x200x64xf32, #tpu.memory_space<vmem>>, vector<1x1x16xf32>,
        %get3A_661 = vector.shape_cast %get3A_660 : vector<1x1x16xf32> to vector<16xf32>
        %add3A_662 = arith.addf %add3A_590, %get3A_661 : vector<16xf32>
        %add3A_663 = arith.constant 5 : i32
        %add3A_664 = arith.addi %mul3A_456, %add3A_663 : i32
        %get3A_665 = arith.constant 1 : i32
        %get3A_666 = arith.index_cast %get3A_665 : i32 to index
        %get3A_667 = arith.index_cast %add3A_664 : i32 to index
        %get3A_668 = arith.constant 48 : index
        %get3A_669 = tpu.vector_load %arg6[%get3A_666, %get3A_667, %get3A_668] {strides = array<i32>} : memref<4x200x64xf32, #tpu.memory_space<vmem>>, vector<1x1x16xf32>,
        %get3A_670 = vector.shape_cast %get3A_669 : vector<1x1x16xf32> to vector<16xf32>
        %add3A_671 = arith.addf %add3A_599, %get3A_670 : vector<16xf32>
        %add3A_672 = arith.constant 6 : i32
        %add3A_673 = arith.addi %mul3A_456, %add3A_672 : i32
        %get3A_674 = arith.constant 1 : i32
        %get3A_675 = arith.index_cast %get3A_674 : i32 to index
        %get3A_676 = arith.index_cast %add3A_673 : i32 to index
        %get3A_677 = arith.constant 0 : index
        %get3A_678 = tpu.vector_load %arg6[%get3A_675, %get3A_676, %get3A_677] {strides = array<i32>} : memref<4x200x64xf32, #tpu.memory_space<vmem>>, vector<1x1x16xf32>,
        %get3A_679 = vector.shape_cast %get3A_678 : vector<1x1x16xf32> to vector<16xf32>
        %add3A_680 = arith.addf %add3A_608, %get3A_679 : vector<16xf32>
        %add3A_681 = arith.constant 6 : i32
        %add3A_682 = arith.addi %mul3A_456, %add3A_681 : i32
        %get3A_683 = arith.constant 1 : i32
        %get3A_684 = arith.index_cast %get3A_683 : i32 to index
        %get3A_685 = arith.index_cast %add3A_682 : i32 to index
        %get3A_686 = arith.constant 16 : index
        %get3A_687 = tpu.vector_load %arg6[%get3A_684, %get3A_685, %get3A_686] {strides = array<i32>} : memref<4x200x64xf32, #tpu.memory_space<vmem>>, vector<1x1x16xf32>,
        %get3A_688 = vector.shape_cast %get3A_687 : vector<1x1x16xf32> to vector<16xf32>
        %add3A_689 = arith.addf %add3A_617, %get3A_688 : vector<16xf32>
        %add3A_690 = arith.constant 6 : i32
        %add3A_691 = arith.addi %mul3A_456, %add3A_690 : i32
        %get3A_692 = arith.constant 1 : i32
        %get3A_693 = arith.index_cast %get3A_692 : i32 to index
        %get3A_694 = arith.index_cast %add3A_691 : i32 to index
        %get3A_695 = arith.constant 32 : index
        %get3A_696 = tpu.vector_load %arg6[%get3A_693, %get3A_694, %get3A_695] {strides = array<i32>} : memref<4x200x64xf32, #tpu.memory_space<vmem>>, vector<1x1x16xf32>,
        %get3A_697 = vector.shape_cast %get3A_696 : vector<1x1x16xf32> to vector<16xf32>
        %add3A_698 = arith.addf %add3A_626, %get3A_697 : vector<16xf32>
        %add3A_699 = arith.constant 6 : i32
        %add3A_700 = arith.addi %mul3A_456, %add3A_699 : i32
        %get3A_701 = arith.constant 1 : i32
        %get3A_702 = arith.index_cast %get3A_701 : i32 to index
        %get3A_703 = arith.index_cast %add3A_700 : i32 to index
        %get3A_704 = arith.constant 48 : index
        %get3A_705 = tpu.vector_load %arg6[%get3A_702, %get3A_703, %get3A_704] {strides = array<i32>} : memref<4x200x64xf32, #tpu.memory_space<vmem>>, vector<1x1x16xf32>,
        %get3A_706 = vector.shape_cast %get3A_705 : vector<1x1x16xf32> to vector<16xf32>
        %add3A_707 = arith.addf %add3A_635, %get3A_706 : vector<16xf32>
        %add3A_708 = arith.constant 7 : i32
        %add3A_709 = arith.addi %mul3A_456, %add3A_708 : i32
        %get3A_710 = arith.constant 1 : i32
        %get3A_711 = arith.index_cast %get3A_710 : i32 to index
        %get3A_712 = arith.index_cast %add3A_709 : i32 to index
        %get3A_713 = arith.constant 0 : index
        %get3A_714 = tpu.vector_load %arg6[%get3A_711, %get3A_712, %get3A_713] {strides = array<i32>} : memref<4x200x64xf32, #tpu.memory_space<vmem>>, vector<1x1x16xf32>,
        %get3A_715 = vector.shape_cast %get3A_714 : vector<1x1x16xf32> to vector<16xf32>
        %add3A_716 = arith.addf %add3A_644, %get3A_715 : vector<16xf32>
        %add3A_717 = arith.constant 7 : i32
        %add3A_718 = arith.addi %mul3A_456, %add3A_717 : i32
        %get3A_719 = arith.constant 1 : i32
        %get3A_720 = arith.index_cast %get3A_719 : i32 to index
        %get3A_721 = arith.index_cast %add3A_718 : i32 to index
        %get3A_722 = arith.constant 16 : index
        %get3A_723 = tpu.vector_load %arg6[%get3A_720, %get3A_721, %get3A_722] {strides = array<i32>} : memref<4x200x64xf32, #tpu.memory_space<vmem>>, vector<1x1x16xf32>,
        %get3A_724 = vector.shape_cast %get3A_723 : vector<1x1x16xf32> to vector<16xf32>
        %add3A_725 = arith.addf %add3A_653, %get3A_724 : vector<16xf32>
        %add3A_726 = arith.constant 7 : i32
        %add3A_727 = arith.addi %mul3A_456, %add3A_726 : i32
        %get3A_728 = arith.constant 1 : i32
        %get3A_729 = arith.index_cast %get3A_728 : i32 to index
        %get3A_730 = arith.index_cast %add3A_727 : i32 to index
        %get3A_731 = arith.constant 32 : index
        %get3A_732 = tpu.vector_load %arg6[%get3A_729, %get3A_730, %get3A_731] {strides = array<i32>} : memref<4x200x64xf32, #tpu.memory_space<vmem>>, vector<1x1x16xf32>,
        %get3A_733 = vector.shape_cast %get3A_732 : vector<1x1x16xf32> to vector<16xf32>
        %add3A_734 = arith.addf %add3A_662, %get3A_733 : vector<16xf32>
        %add3A_735 = arith.constant 7 : i32
        %add3A_736 = arith.addi %mul3A_456, %add3A_735 : i32
        %get3A_737 = arith.constant 1 : i32
        %get3A_738 = arith.index_cast %get3A_737 : i32 to index
        %get3A_739 = arith.index_cast %add3A_736 : i32 to index
        %get3A_740 = arith.constant 48 : index
        %get3A_741 = tpu.vector_load %arg6[%get3A_738, %get3A_739, %get3A_740] {strides = array<i32>} : memref<4x200x64xf32, #tpu.memory_space<vmem>>, vector<1x1x16xf32>,
        %get3A_742 = vector.shape_cast %get3A_741 : vector<1x1x16xf32> to vector<16xf32>
        %add3A_743 = arith.addf %add3A_671, %get3A_742 : vector<16xf32>
        scf.yield %add3A_680, %add3A_689, %add3A_698, %add3A_707, %add3A_716, %add3A_725, %add3A_734, %add3A_743 : vector<16xf32>, vector<16xf32>, vector<16xf32>, vector<16xf32>, vector<16xf32>, vector<16xf32>, vector<16xf32>, vector<16xf32>
      }
      %scan3A_240 = arith.constant 25 : i32
      %add3A_241 = arith.addf %scan3A_239#0, %scan3A_239#4 : vector<16xf32>
      %swap3A_242 = arith.index_cast %add3A_188 : i32 to index
      %swap3A_243 = arith.constant 0 : index
      %swap3A_244 = tpu.vector_load %arg7[%swap3A_242, %swap3A_243] {strides = array<i32>} : memref<128x64xf32, #tpu.memory_space<vmem>>, vector<1x16xf32>,
      %swap3A_245 = vector.shape_cast %swap3A_244 : vector<1x16xf32> to vector<16xf32>
      %swap3A_246 = vector.shape_cast %add3A_241 : vector<16xf32> to vector<1x16xf32>
      tpu.vector_store %arg7[%swap3A_242, %swap3A_243], %swap3A_246 {strides = array<i32>} : memref<128x64xf32, #tpu.memory_space<vmem>>, vector<1x16xf32>,
      %add3A_247 = arith.addf %scan3A_239#1, %scan3A_239#5 : vector<16xf32>
      %swap3A_248 = arith.index_cast %add3A_188 : i32 to index
      %swap3A_249 = arith.constant 16 : index
      %swap3A_250 = tpu.vector_load %arg7[%swap3A_248, %swap3A_249] {strides = array<i32>} : memref<128x64xf32, #tpu.memory_space<vmem>>, vector<1x16xf32>,
      %swap3A_251 = vector.shape_cast %swap3A_250 : vector<1x16xf32> to vector<16xf32>
      %swap3A_252 = vector.shape_cast %add3A_247 : vector<16xf32> to vector<1x16xf32>
      tpu.vector_store %arg7[%swap3A_248, %swap3A_249], %swap3A_252 {strides = array<i32>} : memref<128x64xf32, #tpu.memory_space<vmem>>, vector<1x16xf32>,
      %add3A_253 = arith.addf %scan3A_239#2, %scan3A_239#6 : vector<16xf32>
      %swap3A_254 = arith.index_cast %add3A_188 : i32 to index
      %swap3A_255 = arith.constant 32 : index
      %swap3A_256 = tpu.vector_load %arg7[%swap3A_254, %swap3A_255] {strides = array<i32>} : memref<128x64xf32, #tpu.memory_space<vmem>>, vector<1x16xf32>,
      %swap3A_257 = vector.shape_cast %swap3A_256 : vector<1x16xf32> to vector<16xf32>
      %swap3A_258 = vector.shape_cast %add3A_253 : vector<16xf32> to vector<1x16xf32>
      tpu.vector_store %arg7[%swap3A_254, %swap3A_255], %swap3A_258 {strides = array<i32>} : memref<128x64xf32, #tpu.memory_space<vmem>>, vector<1x16xf32>,
      %add3A_259 = arith.addf %scan3A_239#3, %scan3A_239#7 : vector<16xf32>
      %swap3A_260 = arith.index_cast %add3A_188 : i32 to index
      %swap3A_261 = arith.constant 48 : index
      %swap3A_262 = tpu.vector_load %arg7[%swap3A_260, %swap3A_261] {strides = array<i32>} : memref<128x64xf32, #tpu.memory_space<vmem>>, vector<1x16xf32>,
      %swap3A_263 = vector.shape_cast %swap3A_262 : vector<1x16xf32> to vector<16xf32>
      %swap3A_264 = vector.shape_cast %add3A_259 : vector<16xf32> to vector<1x16xf32>
      tpu.vector_store %arg7[%swap3A_260, %swap3A_261], %swap3A_264 {strides = array<i32>} : memref<128x64xf32, #tpu.memory_space<vmem>>, vector<1x16xf32>,
      %add3A_265 = arith.constant 4 : i32
      %add3A_266 = arith.addi %add3A_188, %add3A_265 : i32
      %lt3A_267 = arith.constant 128 : i32
      %lt3A_268 = arith.cmpi slt, %add3A_266, %lt3A_267 : i32
      %convert_element_type3A_269 = arith.extui %lt3A_268 : i1 to i32
      %cond3A_270 = arith.constant 0 : i32
      %cond3A_271 = arith.cmpi ne, %convert_element_type3A_269, %cond3A_270 : i32
      scf.if %cond3A_271 {
        %add3A_446 = arith.constant 4 : i32
        %add3A_447 = arith.addi %add3A_188, %add3A_446 : i32
        %dma_start3A_448 = arith.constant 1 : i32
        %dma_start3A_449 = arith.constant 0 : i32
        %dma_start3A_450 = arith.constant 0 : i32
        %dma_start3A_451 = tpu.memref_slice %arg6[%dma_start3A_448, %dma_start3A_449, %dma_start3A_450] : memref<4x200x64xf32, #tpu.memory_space<vmem>> -> memref<1x104x64xf32, #tpu.memory_space<vmem>>
        %dma_start3A_452 = tpu.memref_squeeze %dma_start3A_451 : memref<1x104x64xf32, #tpu.memory_space<vmem>> -> memref<104x64xf32, #tpu.memory_space<vmem>>
        %dma_start3A_453 = arith.constant 0 : i32
        %dma_start3A_454 = tpu.memref_slice %arg5[%add3A_447, %dma_start3A_453] : memref<128x200xi32, #tpu.memory_space<vmem>> -> memref<1x104xi32, #tpu.memory_space<vmem>>
        %dma_start3A_455 = tpu.memref_squeeze %dma_start3A_454 : memref<1x104xi32, #tpu.memory_space<vmem>> -> memref<104xi32, #tpu.memory_space<vmem>>
        %dma_start3A_456 = arith.constant 0 : i32
        %dma_start3A_457 = arith.constant 0 : i32
        %dma_start3A_458 = tpu.memref_slice %arg3[%dma_start3A_456, %dma_start3A_457] : memref<1000000x64xf32, #tpu.memory_space<hbm>> -> memref<1000000x64xf32, #tpu.memory_space<hbm>>
        tpu.enqueue_indirect_dma source(%dma_start3A_458 : memref<1000000x64xf32, #tpu.memory_space<hbm>>) target(%dma_start3A_452 : memref<104x64xf32, #tpu.memory_space<vmem>>) offsets(%dma_start3A_455 : memref<104xi32, #tpu.memory_space<vmem>>) semaphore(%arg9 : memref<!tpu.dma_semaphore, #tpu.memory_space<semaphore_mem>>)
        %dma_start3A_459 = arith.constant 1 : i32
        %dma_start3A_460 = arith.constant 104 : i32
        %dma_start3A_461 = arith.constant 0 : i32
        %dma_start3A_462 = tpu.memref_slice %arg6[%dma_start3A_459, %dma_start3A_460, %dma_start3A_461] : memref<4x200x64xf32, #tpu.memory_space<vmem>> -> memref<1x96x64xf32, #tpu.memory_space<vmem>>
        %dma_start3A_463 = tpu.memref_squeeze %dma_start3A_462 : memref<1x96x64xf32, #tpu.memory_space<vmem>> -> memref<96x64xf32, #tpu.memory_space<vmem>>
        %dma_start3A_464 = arith.constant 104 : i32
        %dma_start3A_465 = tpu.memref_slice %arg5[%add3A_447, %dma_start3A_464] : memref<128x200xi32, #tpu.memory_space<vmem>> -> memref<1x96xi32, #tpu.memory_space<vmem>>
        %dma_start3A_466 = tpu.memref_squeeze %dma_start3A_465 : memref<1x96xi32, #tpu.memory_space<vmem>> -> memref<96xi32, #tpu.memory_space<vmem>>
        %dma_start3A_467 = arith.constant 0 : i32
        %dma_start3A_468 = arith.constant 0 : i32
        %dma_start3A_469 = tpu.memref_slice %arg3[%dma_start3A_467, %dma_start3A_468] : memref<1000000x64xf32, #tpu.memory_space<hbm>> -> memref<1000000x64xf32, #tpu.memory_space<hbm>>
        tpu.enqueue_indirect_dma source(%dma_start3A_469 : memref<1000000x64xf32, #tpu.memory_space<hbm>>) target(%dma_start3A_463 : memref<96x64xf32, #tpu.memory_space<vmem>>) offsets(%dma_start3A_466 : memref<96xi32, #tpu.memory_space<vmem>>) semaphore(%arg9 : memref<!tpu.dma_semaphore, #tpu.memory_space<semaphore_mem>>)
      } else {
      }
      %mul3A_272 = arith.constant 4 : i32
      %mul3A_273 = arith.muli %scan3A_103, %mul3A_272 : i32
      %add3A_274 = arith.constant 2 : i32
      %add3A_275 = arith.addi %mul3A_273, %add3A_274 : i32
      %dma_wait3A_276 = arith.constant 2 : i32
      %dma_wait3A_277 = arith.constant 0 : i32
      %dma_wait3A_278 = arith.constant 0 : i32
      %dma_wait3A_279 = tpu.memref_slice %arg6[%dma_wait3A_276, %dma_wait3A_277, %dma_wait3A_278] : memref<4x200x64xf32, #tpu.memory_space<vmem>> -> memref<1x104x64xf32, #tpu.memory_space<vmem>>
      %dma_wait3A_280 = tpu.memref_squeeze %dma_wait3A_279 : memref<1x104x64xf32, #tpu.memory_space<vmem>> -> memref<104x64xf32, #tpu.memory_space<vmem>>
      %dma_wait3A_281 = arith.constant 0 : i32
      %dma_wait3A_282 = arith.constant 0 : i32
      %dma_wait3A_283 = tpu.memref_slice %arg3[%dma_wait3A_281, %dma_wait3A_282] : memref<1000000x64xf32, #tpu.memory_space<hbm>> -> memref<104x64xf32, #tpu.memory_space<hbm>>
      %dma_wait3A_284 = arith.constant 0 : i32
      %dma_wait3A_285 = arith.constant 0 : i32
      %dma_wait3A_286 = tpu.memref_slice %arg6[%dma_wait3A_276, %dma_wait3A_284, %dma_wait3A_285] : memref<4x200x64xf32, #tpu.memory_space<vmem>> -> memref<1x104x64xf32, #tpu.memory_space<vmem>>
      %dma_wait3A_287 = tpu.memref_squeeze %dma_wait3A_286 : memref<1x104x64xf32, #tpu.memory_space<vmem>> -> memref<104x64xf32, #tpu.memory_space<vmem>>
      %dma_wait3A_288 = arith.constant 0 : i32
      %dma_wait3A_289 = arith.constant 0 : i32
      %dma_wait3A_290 = tpu.memref_slice %arg3[%dma_wait3A_288, %dma_wait3A_289] : memref<1000000x64xf32, #tpu.memory_space<hbm>> -> memref<104x64xf32, #tpu.memory_space<hbm>>
      tpu.wait_dma2 semaphore(%arg10 : memref<!tpu.dma_semaphore, #tpu.memory_space<semaphore_mem>>) src(%dma_wait3A_290 : memref<104x64xf32, #tpu.memory_space<hbm>>) dst(%dma_wait3A_287 : memref<104x64xf32, #tpu.memory_space<vmem>>)
      %dma_wait3A_291 = arith.constant 2 : i32
      %dma_wait3A_292 = arith.constant 104 : i32
      %dma_wait3A_293 = arith.constant 0 : i32
      %dma_wait3A_294 = tpu.memref_slice %arg6[%dma_wait3A_291, %dma_wait3A_292, %dma_wait3A_293] : memref<4x200x64xf32, #tpu.memory_space<vmem>> -> memref<1x96x64xf32, #tpu.memory_space<vmem>>
      %dma_wait3A_295 = tpu.memref_squeeze %dma_wait3A_294 : memref<1x96x64xf32, #tpu.memory_space<vmem>> -> memref<96x64xf32, #tpu.memory_space<vmem>>
      %dma_wait3A_296 = arith.constant 0 : i32
      %dma_wait3A_297 = arith.constant 0 : i32
      %dma_wait3A_298 = tpu.memref_slice %arg3[%dma_wait3A_296, %dma_wait3A_297] : memref<1000000x64xf32, #tpu.memory_space<hbm>> -> memref<96x64xf32, #tpu.memory_space<hbm>>
      %dma_wait3A_299 = arith.constant 104 : i32
      %dma_wait3A_300 = arith.constant 0 : i32
      %dma_wait3A_301 = tpu.memref_slice %arg6[%dma_wait3A_291, %dma_wait3A_299, %dma_wait3A_300] : memref<4x200x64xf32, #tpu.memory_space<vmem>> -> memref<1x96x64xf32, #tpu.memory_space<vmem>>
      %dma_wait3A_302 = tpu.memref_squeeze %dma_wait3A_301 : memref<1x96x64xf32, #tpu.memory_space<vmem>> -> memref<96x64xf32, #tpu.memory_space<vmem>>
      %dma_wait3A_303 = arith.constant 0 : i32
      %dma_wait3A_304 = arith.constant 0 : i32
      %dma_wait3A_305 = tpu.memref_slice %arg3[%dma_wait3A_303, %dma_wait3A_304] : memref<1000000x64xf32, #tpu.memory_space<hbm>> -> memref<96x64xf32, #tpu.memory_space<hbm>>
      tpu.wait_dma2 semaphore(%arg10 : memref<!tpu.dma_semaphore, #tpu.memory_space<semaphore_mem>>) src(%dma_wait3A_305 : memref<96x64xf32, #tpu.memory_space<hbm>>) dst(%dma_wait3A_302 : memref<96x64xf32, #tpu.memory_space<vmem>>)
      %broadcast_in_dim3A_306 = arith.constant 0.000000e+00 : f32
      %broadcast_in_dim3A_307 = vector.broadcast %broadcast_in_dim3A_306 : f32 to vector<16xf32>
      %broadcast_in_dim3A_308 = arith.constant 0.000000e+00 : f32
      %broadcast_in_dim3A_309 = vector.broadcast %broadcast_in_dim3A_308 : f32 to vector<16xf32>
      %broadcast_in_dim3A_310 = arith.constant 0.000000e+00 : f32
      %broadcast_in_dim3A_311 = vector.broadcast %broadcast_in_dim3A_310 : f32 to vector<16xf32>
      %broadcast_in_dim3A_312 = arith.constant 0.000000e+00 : f32
      %broadcast_in_dim3A_313 = vector.broadcast %broadcast_in_dim3A_312 : f32 to vector<16xf32>
      %broadcast_in_dim3A_314 = arith.constant 0.000000e+00 : f32
      %broadcast_in_dim3A_315 = vector.broadcast %broadcast_in_dim3A_314 : f32 to vector<16xf32>
      %broadcast_in_dim3A_316 = arith.constant 0.000000e+00 : f32
      %broadcast_in_dim3A_317 = vector.broadcast %broadcast_in_dim3A_316 : f32 to vector<16xf32>
      %broadcast_in_dim3A_318 = arith.constant 0.000000e+00 : f32
      %broadcast_in_dim3A_319 = vector.broadcast %broadcast_in_dim3A_318 : f32 to vector<16xf32>
      %broadcast_in_dim3A_320 = arith.constant 0.000000e+00 : f32
      %broadcast_in_dim3A_321 = vector.broadcast %broadcast_in_dim3A_320 : f32 to vector<16xf32>
      %scan3A_322 = arith.constant 0 : i32
      %scan3A_323 = arith.constant 25 : i32
      %scan3A_324 = arith.addi %scan3A_322, %scan3A_323 : i32
      %scan3A_325 = arith.constant 1 : i32
      %scan3A_326:8 = scf.for %scan3A_446 = %scan3A_322 to %scan3A_324 step %scan3A_325 iter_args(%scan3A_447 = %broadcast_in_dim3A_307, %scan3A_448 = %broadcast_in_dim3A_309, %scan3A_449 = %broadcast_in_dim3A_311, %scan3A_450 = %broadcast_in_dim3A_313, %scan3A_451 = %broadcast_in_dim3A_315, %scan3A_452 = %broadcast_in_dim3A_317, %scan3A_453 = %broadcast_in_dim3A_319, %scan3A_454 = %broadcast_in_dim3A_321) -> (vector<16xf32>, vector<16xf32>, vector<16xf32>, vector<16xf32>, vector<16xf32>, vector<16xf32>, vector<16xf32>, vector<16xf32>)  : i32 {
        %mul3A_455 = arith.constant 8 : i32
        %mul3A_456 = arith.muli %scan3A_446, %mul3A_455 : i32
        %add3A_457 = arith.constant 0 : i32
        %add3A_458 = arith.addi %mul3A_456, %add3A_457 : i32
        %get3A = arith.constant 2 : i32
        %get3A_459 = arith.index_cast %get3A : i32 to index
        %get3A_460 = arith.index_cast %add3A_458 : i32 to index
        %get3A_461 = arith.constant 0 : index
        %get3A_462 = tpu.vector_load %arg6[%get3A_459, %get3A_460, %get3A_461] {strides = array<i32>} : memref<4x200x64xf32, #tpu.memory_space<vmem>>, vector<1x1x16xf32>,
        %get3A_463 = vector.shape_cast %get3A_462 : vector<1x1x16xf32> to vector<16xf32>
        %add3A_464 = arith.addf %scan3A_447, %get3A_463 : vector<16xf32>
        %add3A_465 = arith.constant 0 : i32
        %add3A_466 = arith.addi %mul3A_456, %add3A_465 : i32
        %get3A_467 = arith.constant 2 : i32
        %get3A_468 = arith.index_cast %get3A_467 : i32 to index
        %get3A_469 = arith.index_cast %add3A_466 : i32 to index
        %get3A_470 = arith.constant 16 : index
        %get3A_471 = tpu.vector_load %arg6[%get3A_468, %get3A_469, %get3A_470] {strides = array<i32>} : memref<4x200x64xf32, #tpu.memory_space<vmem>>, vector<1x1x16xf32>,
        %get3A_472 = vector.shape_cast %get3A_471 : vector<1x1x16xf32> to vector<16xf32>
        %add3A_473 = arith.addf %scan3A_448, %get3A_472 : vector<16xf32>
        %add3A_474 = arith.constant 0 : i32
        %add3A_475 = arith.addi %mul3A_456, %add3A_474 : i32
        %get3A_476 = arith.constant 2 : i32
        %get3A_477 = arith.index_cast %get3A_476 : i32 to index
        %get3A_478 = arith.index_cast %add3A_475 : i32 to index
        %get3A_479 = arith.constant 32 : index
        %get3A_480 = tpu.vector_load %arg6[%get3A_477, %get3A_478, %get3A_479] {strides = array<i32>} : memref<4x200x64xf32, #tpu.memory_space<vmem>>, vector<1x1x16xf32>,
        %get3A_481 = vector.shape_cast %get3A_480 : vector<1x1x16xf32> to vector<16xf32>
        %add3A_482 = arith.addf %scan3A_449, %get3A_481 : vector<16xf32>
        %add3A_483 = arith.constant 0 : i32
        %add3A_484 = arith.addi %mul3A_456, %add3A_483 : i32
        %get3A_485 = arith.constant 2 : i32
        %get3A_486 = arith.index_cast %get3A_485 : i32 to index
        %get3A_487 = arith.index_cast %add3A_484 : i32 to index
        %get3A_488 = arith.constant 48 : index
        %get3A_489 = tpu.vector_load %arg6[%get3A_486, %get3A_487, %get3A_488] {strides = array<i32>} : memref<4x200x64xf32, #tpu.memory_space<vmem>>, vector<1x1x16xf32>,
        %get3A_490 = vector.shape_cast %get3A_489 : vector<1x1x16xf32> to vector<16xf32>
        %add3A_491 = arith.addf %scan3A_450, %get3A_490 : vector<16xf32>
        %add3A_492 = arith.constant 1 : i32
        %add3A_493 = arith.addi %mul3A_456, %add3A_492 : i32
        %get3A_494 = arith.constant 2 : i32
        %get3A_495 = arith.index_cast %get3A_494 : i32 to index
        %get3A_496 = arith.index_cast %add3A_493 : i32 to index
        %get3A_497 = arith.constant 0 : index
        %get3A_498 = tpu.vector_load %arg6[%get3A_495, %get3A_496, %get3A_497] {strides = array<i32>} : memref<4x200x64xf32, #tpu.memory_space<vmem>>, vector<1x1x16xf32>,
        %get3A_499 = vector.shape_cast %get3A_498 : vector<1x1x16xf32> to vector<16xf32>
        %add3A_500 = arith.addf %scan3A_451, %get3A_499 : vector<16xf32>
        %add3A_501 = arith.constant 1 : i32
        %add3A_502 = arith.addi %mul3A_456, %add3A_501 : i32
        %get3A_503 = arith.constant 2 : i32
        %get3A_504 = arith.index_cast %get3A_503 : i32 to index
        %get3A_505 = arith.index_cast %add3A_502 : i32 to index
        %get3A_506 = arith.constant 16 : index
        %get3A_507 = tpu.vector_load %arg6[%get3A_504, %get3A_505, %get3A_506] {strides = array<i32>} : memref<4x200x64xf32, #tpu.memory_space<vmem>>, vector<1x1x16xf32>,
        %get3A_508 = vector.shape_cast %get3A_507 : vector<1x1x16xf32> to vector<16xf32>
        %add3A_509 = arith.addf %scan3A_452, %get3A_508 : vector<16xf32>
        %add3A_510 = arith.constant 1 : i32
        %add3A_511 = arith.addi %mul3A_456, %add3A_510 : i32
        %get3A_512 = arith.constant 2 : i32
        %get3A_513 = arith.index_cast %get3A_512 : i32 to index
        %get3A_514 = arith.index_cast %add3A_511 : i32 to index
        %get3A_515 = arith.constant 32 : index
        %get3A_516 = tpu.vector_load %arg6[%get3A_513, %get3A_514, %get3A_515] {strides = array<i32>} : memref<4x200x64xf32, #tpu.memory_space<vmem>>, vector<1x1x16xf32>,
        %get3A_517 = vector.shape_cast %get3A_516 : vector<1x1x16xf32> to vector<16xf32>
        %add3A_518 = arith.addf %scan3A_453, %get3A_517 : vector<16xf32>
        %add3A_519 = arith.constant 1 : i32
        %add3A_520 = arith.addi %mul3A_456, %add3A_519 : i32
        %get3A_521 = arith.constant 2 : i32
        %get3A_522 = arith.index_cast %get3A_521 : i32 to index
        %get3A_523 = arith.index_cast %add3A_520 : i32 to index
        %get3A_524 = arith.constant 48 : index
        %get3A_525 = tpu.vector_load %arg6[%get3A_522, %get3A_523, %get3A_524] {strides = array<i32>} : memref<4x200x64xf32, #tpu.memory_space<vmem>>, vector<1x1x16xf32>,
        %get3A_526 = vector.shape_cast %get3A_525 : vector<1x1x16xf32> to vector<16xf32>
        %add3A_527 = arith.addf %scan3A_454, %get3A_526 : vector<16xf32>
        %add3A_528 = arith.constant 2 : i32
        %add3A_529 = arith.addi %mul3A_456, %add3A_528 : i32
        %get3A_530 = arith.constant 2 : i32
        %get3A_531 = arith.index_cast %get3A_530 : i32 to index
        %get3A_532 = arith.index_cast %add3A_529 : i32 to index
        %get3A_533 = arith.constant 0 : index
        %get3A_534 = tpu.vector_load %arg6[%get3A_531, %get3A_532, %get3A_533] {strides = array<i32>} : memref<4x200x64xf32, #tpu.memory_space<vmem>>, vector<1x1x16xf32>,
        %get3A_535 = vector.shape_cast %get3A_534 : vector<1x1x16xf32> to vector<16xf32>
        %add3A_536 = arith.addf %add3A_464, %get3A_535 : vector<16xf32>
        %add3A_537 = arith.constant 2 : i32
        %add3A_538 = arith.addi %mul3A_456, %add3A_537 : i32
        %get3A_539 = arith.constant 2 : i32
        %get3A_540 = arith.index_cast %get3A_539 : i32 to index
        %get3A_541 = arith.index_cast %add3A_538 : i32 to index
        %get3A_542 = arith.constant 16 : index
        %get3A_543 = tpu.vector_load %arg6[%get3A_540, %get3A_541, %get3A_542] {strides = array<i32>} : memref<4x200x64xf32, #tpu.memory_space<vmem>>, vector<1x1x16xf32>,
        %get3A_544 = vector.shape_cast %get3A_543 : vector<1x1x16xf32> to vector<16xf32>
        %add3A_545 = arith.addf %add3A_473, %get3A_544 : vector<16xf32>
        %add3A_546 = arith.constant 2 : i32
        %add3A_547 = arith.addi %mul3A_456, %add3A_546 : i32
        %get3A_548 = arith.constant 2 : i32
        %get3A_549 = arith.index_cast %get3A_548 : i32 to index
        %get3A_550 = arith.index_cast %add3A_547 : i32 to index
        %get3A_551 = arith.constant 32 : index
        %get3A_552 = tpu.vector_load %arg6[%get3A_549, %get3A_550, %get3A_551] {strides = array<i32>} : memref<4x200x64xf32, #tpu.memory_space<vmem>>, vector<1x1x16xf32>,
        %get3A_553 = vector.shape_cast %get3A_552 : vector<1x1x16xf32> to vector<16xf32>
        %add3A_554 = arith.addf %add3A_482, %get3A_553 : vector<16xf32>
        %add3A_555 = arith.constant 2 : i32
        %add3A_556 = arith.addi %mul3A_456, %add3A_555 : i32
        %get3A_557 = arith.constant 2 : i32
        %get3A_558 = arith.index_cast %get3A_557 : i32 to index
        %get3A_559 = arith.index_cast %add3A_556 : i32 to index
        %get3A_560 = arith.constant 48 : index
        %get3A_561 = tpu.vector_load %arg6[%get3A_558, %get3A_559, %get3A_560] {strides = array<i32>} : memref<4x200x64xf32, #tpu.memory_space<vmem>>, vector<1x1x16xf32>,
        %get3A_562 = vector.shape_cast %get3A_561 : vector<1x1x16xf32> to vector<16xf32>
        %add3A_563 = arith.addf %add3A_491, %get3A_562 : vector<16xf32>
        %add3A_564 = arith.constant 3 : i32
        %add3A_565 = arith.addi %mul3A_456, %add3A_564 : i32
        %get3A_566 = arith.constant 2 : i32
        %get3A_567 = arith.index_cast %get3A_566 : i32 to index
        %get3A_568 = arith.index_cast %add3A_565 : i32 to index
        %get3A_569 = arith.constant 0 : index
        %get3A_570 = tpu.vector_load %arg6[%get3A_567, %get3A_568, %get3A_569] {strides = array<i32>} : memref<4x200x64xf32, #tpu.memory_space<vmem>>, vector<1x1x16xf32>,
        %get3A_571 = vector.shape_cast %get3A_570 : vector<1x1x16xf32> to vector<16xf32>
        %add3A_572 = arith.addf %add3A_500, %get3A_571 : vector<16xf32>
        %add3A_573 = arith.constant 3 : i32
        %add3A_574 = arith.addi %mul3A_456, %add3A_573 : i32
        %get3A_575 = arith.constant 2 : i32
        %get3A_576 = arith.index_cast %get3A_575 : i32 to index
        %get3A_577 = arith.index_cast %add3A_574 : i32 to index
        %get3A_578 = arith.constant 16 : index
        %get3A_579 = tpu.vector_load %arg6[%get3A_576, %get3A_577, %get3A_578] {strides = array<i32>} : memref<4x200x64xf32, #tpu.memory_space<vmem>>, vector<1x1x16xf32>,
        %get3A_580 = vector.shape_cast %get3A_579 : vector<1x1x16xf32> to vector<16xf32>
        %add3A_581 = arith.addf %add3A_509, %get3A_580 : vector<16xf32>
        %add3A_582 = arith.constant 3 : i32
        %add3A_583 = arith.addi %mul3A_456, %add3A_582 : i32
        %get3A_584 = arith.constant 2 : i32
        %get3A_585 = arith.index_cast %get3A_584 : i32 to index
        %get3A_586 = arith.index_cast %add3A_583 : i32 to index
        %get3A_587 = arith.constant 32 : index
        %get3A_588 = tpu.vector_load %arg6[%get3A_585, %get3A_586, %get3A_587] {strides = array<i32>} : memref<4x200x64xf32, #tpu.memory_space<vmem>>, vector<1x1x16xf32>,
        %get3A_589 = vector.shape_cast %get3A_588 : vector<1x1x16xf32> to vector<16xf32>
        %add3A_590 = arith.addf %add3A_518, %get3A_589 : vector<16xf32>
        %add3A_591 = arith.constant 3 : i32
        %add3A_592 = arith.addi %mul3A_456, %add3A_591 : i32
        %get3A_593 = arith.constant 2 : i32
        %get3A_594 = arith.index_cast %get3A_593 : i32 to index
        %get3A_595 = arith.index_cast %add3A_592 : i32 to index
        %get3A_596 = arith.constant 48 : index
        %get3A_597 = tpu.vector_load %arg6[%get3A_594, %get3A_595, %get3A_596] {strides = array<i32>} : memref<4x200x64xf32, #tpu.memory_space<vmem>>, vector<1x1x16xf32>,
        %get3A_598 = vector.shape_cast %get3A_597 : vector<1x1x16xf32> to vector<16xf32>
        %add3A_599 = arith.addf %add3A_527, %get3A_598 : vector<16xf32>
        %add3A_600 = arith.constant 4 : i32
        %add3A_601 = arith.addi %mul3A_456, %add3A_600 : i32
        %get3A_602 = arith.constant 2 : i32
        %get3A_603 = arith.index_cast %get3A_602 : i32 to index
        %get3A_604 = arith.index_cast %add3A_601 : i32 to index
        %get3A_605 = arith.constant 0 : index
        %get3A_606 = tpu.vector_load %arg6[%get3A_603, %get3A_604, %get3A_605] {strides = array<i32>} : memref<4x200x64xf32, #tpu.memory_space<vmem>>, vector<1x1x16xf32>,
        %get3A_607 = vector.shape_cast %get3A_606 : vector<1x1x16xf32> to vector<16xf32>
        %add3A_608 = arith.addf %add3A_536, %get3A_607 : vector<16xf32>
        %add3A_609 = arith.constant 4 : i32
        %add3A_610 = arith.addi %mul3A_456, %add3A_609 : i32
        %get3A_611 = arith.constant 2 : i32
        %get3A_612 = arith.index_cast %get3A_611 : i32 to index
        %get3A_613 = arith.index_cast %add3A_610 : i32 to index
        %get3A_614 = arith.constant 16 : index
        %get3A_615 = tpu.vector_load %arg6[%get3A_612, %get3A_613, %get3A_614] {strides = array<i32>} : memref<4x200x64xf32, #tpu.memory_space<vmem>>, vector<1x1x16xf32>,
        %get3A_616 = vector.shape_cast %get3A_615 : vector<1x1x16xf32> to vector<16xf32>
        %add3A_617 = arith.addf %add3A_545, %get3A_616 : vector<16xf32>
        %add3A_618 = arith.constant 4 : i32
        %add3A_619 = arith.addi %mul3A_456, %add3A_618 : i32
        %get3A_620 = arith.constant 2 : i32
        %get3A_621 = arith.index_cast %get3A_620 : i32 to index
        %get3A_622 = arith.index_cast %add3A_619 : i32 to index
        %get3A_623 = arith.constant 32 : index
        %get3A_624 = tpu.vector_load %arg6[%get3A_621, %get3A_622, %get3A_623] {strides = array<i32>} : memref<4x200x64xf32, #tpu.memory_space<vmem>>, vector<1x1x16xf32>,
        %get3A_625 = vector.shape_cast %get3A_624 : vector<1x1x16xf32> to vector<16xf32>
        %add3A_626 = arith.addf %add3A_554, %get3A_625 : vector<16xf32>
        %add3A_627 = arith.constant 4 : i32
        %add3A_628 = arith.addi %mul3A_456, %add3A_627 : i32
        %get3A_629 = arith.constant 2 : i32
        %get3A_630 = arith.index_cast %get3A_629 : i32 to index
        %get3A_631 = arith.index_cast %add3A_628 : i32 to index
        %get3A_632 = arith.constant 48 : index
        %get3A_633 = tpu.vector_load %arg6[%get3A_630, %get3A_631, %get3A_632] {strides = array<i32>} : memref<4x200x64xf32, #tpu.memory_space<vmem>>, vector<1x1x16xf32>,
        %get3A_634 = vector.shape_cast %get3A_633 : vector<1x1x16xf32> to vector<16xf32>
        %add3A_635 = arith.addf %add3A_563, %get3A_634 : vector<16xf32>
        %add3A_636 = arith.constant 5 : i32
        %add3A_637 = arith.addi %mul3A_456, %add3A_636 : i32
        %get3A_638 = arith.constant 2 : i32
        %get3A_639 = arith.index_cast %get3A_638 : i32 to index
        %get3A_640 = arith.index_cast %add3A_637 : i32 to index
        %get3A_641 = arith.constant 0 : index
        %get3A_642 = tpu.vector_load %arg6[%get3A_639, %get3A_640, %get3A_641] {strides = array<i32>} : memref<4x200x64xf32, #tpu.memory_space<vmem>>, vector<1x1x16xf32>,
        %get3A_643 = vector.shape_cast %get3A_642 : vector<1x1x16xf32> to vector<16xf32>
        %add3A_644 = arith.addf %add3A_572, %get3A_643 : vector<16xf32>
        %add3A_645 = arith.constant 5 : i32
        %add3A_646 = arith.addi %mul3A_456, %add3A_645 : i32
        %get3A_647 = arith.constant 2 : i32
        %get3A_648 = arith.index_cast %get3A_647 : i32 to index
        %get3A_649 = arith.index_cast %add3A_646 : i32 to index
        %get3A_650 = arith.constant 16 : index
        %get3A_651 = tpu.vector_load %arg6[%get3A_648, %get3A_649, %get3A_650] {strides = array<i32>} : memref<4x200x64xf32, #tpu.memory_space<vmem>>, vector<1x1x16xf32>,
        %get3A_652 = vector.shape_cast %get3A_651 : vector<1x1x16xf32> to vector<16xf32>
        %add3A_653 = arith.addf %add3A_581, %get3A_652 : vector<16xf32>
        %add3A_654 = arith.constant 5 : i32
        %add3A_655 = arith.addi %mul3A_456, %add3A_654 : i32
        %get3A_656 = arith.constant 2 : i32
        %get3A_657 = arith.index_cast %get3A_656 : i32 to index
        %get3A_658 = arith.index_cast %add3A_655 : i32 to index
        %get3A_659 = arith.constant 32 : index
        %get3A_660 = tpu.vector_load %arg6[%get3A_657, %get3A_658, %get3A_659] {strides = array<i32>} : memref<4x200x64xf32, #tpu.memory_space<vmem>>, vector<1x1x16xf32>,
        %get3A_661 = vector.shape_cast %get3A_660 : vector<1x1x16xf32> to vector<16xf32>
        %add3A_662 = arith.addf %add3A_590, %get3A_661 : vector<16xf32>
        %add3A_663 = arith.constant 5 : i32
        %add3A_664 = arith.addi %mul3A_456, %add3A_663 : i32
        %get3A_665 = arith.constant 2 : i32
        %get3A_666 = arith.index_cast %get3A_665 : i32 to index
        %get3A_667 = arith.index_cast %add3A_664 : i32 to index
        %get3A_668 = arith.constant 48 : index
        %get3A_669 = tpu.vector_load %arg6[%get3A_666, %get3A_667, %get3A_668] {strides = array<i32>} : memref<4x200x64xf32, #tpu.memory_space<vmem>>, vector<1x1x16xf32>,
        %get3A_670 = vector.shape_cast %get3A_669 : vector<1x1x16xf32> to vector<16xf32>
        %add3A_671 = arith.addf %add3A_599, %get3A_670 : vector<16xf32>
        %add3A_672 = arith.constant 6 : i32
        %add3A_673 = arith.addi %mul3A_456, %add3A_672 : i32
        %get3A_674 = arith.constant 2 : i32
        %get3A_675 = arith.index_cast %get3A_674 : i32 to index
        %get3A_676 = arith.index_cast %add3A_673 : i32 to index
        %get3A_677 = arith.constant 0 : index
        %get3A_678 = tpu.vector_load %arg6[%get3A_675, %get3A_676, %get3A_677] {strides = array<i32>} : memref<4x200x64xf32, #tpu.memory_space<vmem>>, vector<1x1x16xf32>,
        %get3A_679 = vector.shape_cast %get3A_678 : vector<1x1x16xf32> to vector<16xf32>
        %add3A_680 = arith.addf %add3A_608, %get3A_679 : vector<16xf32>
        %add3A_681 = arith.constant 6 : i32
        %add3A_682 = arith.addi %mul3A_456, %add3A_681 : i32
        %get3A_683 = arith.constant 2 : i32
        %get3A_684 = arith.index_cast %get3A_683 : i32 to index
        %get3A_685 = arith.index_cast %add3A_682 : i32 to index
        %get3A_686 = arith.constant 16 : index
        %get3A_687 = tpu.vector_load %arg6[%get3A_684, %get3A_685, %get3A_686] {strides = array<i32>} : memref<4x200x64xf32, #tpu.memory_space<vmem>>, vector<1x1x16xf32>,
        %get3A_688 = vector.shape_cast %get3A_687 : vector<1x1x16xf32> to vector<16xf32>
        %add3A_689 = arith.addf %add3A_617, %get3A_688 : vector<16xf32>
        %add3A_690 = arith.constant 6 : i32
        %add3A_691 = arith.addi %mul3A_456, %add3A_690 : i32
        %get3A_692 = arith.constant 2 : i32
        %get3A_693 = arith.index_cast %get3A_692 : i32 to index
        %get3A_694 = arith.index_cast %add3A_691 : i32 to index
        %get3A_695 = arith.constant 32 : index
        %get3A_696 = tpu.vector_load %arg6[%get3A_693, %get3A_694, %get3A_695] {strides = array<i32>} : memref<4x200x64xf32, #tpu.memory_space<vmem>>, vector<1x1x16xf32>,
        %get3A_697 = vector.shape_cast %get3A_696 : vector<1x1x16xf32> to vector<16xf32>
        %add3A_698 = arith.addf %add3A_626, %get3A_697 : vector<16xf32>
        %add3A_699 = arith.constant 6 : i32
        %add3A_700 = arith.addi %mul3A_456, %add3A_699 : i32
        %get3A_701 = arith.constant 2 : i32
        %get3A_702 = arith.index_cast %get3A_701 : i32 to index
        %get3A_703 = arith.index_cast %add3A_700 : i32 to index
        %get3A_704 = arith.constant 48 : index
        %get3A_705 = tpu.vector_load %arg6[%get3A_702, %get3A_703, %get3A_704] {strides = array<i32>} : memref<4x200x64xf32, #tpu.memory_space<vmem>>, vector<1x1x16xf32>,
        %get3A_706 = vector.shape_cast %get3A_705 : vector<1x1x16xf32> to vector<16xf32>
        %add3A_707 = arith.addf %add3A_635, %get3A_706 : vector<16xf32>
        %add3A_708 = arith.constant 7 : i32
        %add3A_709 = arith.addi %mul3A_456, %add3A_708 : i32
        %get3A_710 = arith.constant 2 : i32
        %get3A_711 = arith.index_cast %get3A_710 : i32 to index
        %get3A_712 = arith.index_cast %add3A_709 : i32 to index
        %get3A_713 = arith.constant 0 : index
        %get3A_714 = tpu.vector_load %arg6[%get3A_711, %get3A_712, %get3A_713] {strides = array<i32>} : memref<4x200x64xf32, #tpu.memory_space<vmem>>, vector<1x1x16xf32>,
        %get3A_715 = vector.shape_cast %get3A_714 : vector<1x1x16xf32> to vector<16xf32>
        %add3A_716 = arith.addf %add3A_644, %get3A_715 : vector<16xf32>
        %add3A_717 = arith.constant 7 : i32
        %add3A_718 = arith.addi %mul3A_456, %add3A_717 : i32
        %get3A_719 = arith.constant 2 : i32
        %get3A_720 = arith.index_cast %get3A_719 : i32 to index
        %get3A_721 = arith.index_cast %add3A_718 : i32 to index
        %get3A_722 = arith.constant 16 : index
        %get3A_723 = tpu.vector_load %arg6[%get3A_720, %get3A_721, %get3A_722] {strides = array<i32>} : memref<4x200x64xf32, #tpu.memory_space<vmem>>, vector<1x1x16xf32>,
        %get3A_724 = vector.shape_cast %get3A_723 : vector<1x1x16xf32> to vector<16xf32>
        %add3A_725 = arith.addf %add3A_653, %get3A_724 : vector<16xf32>
        %add3A_726 = arith.constant 7 : i32
        %add3A_727 = arith.addi %mul3A_456, %add3A_726 : i32
        %get3A_728 = arith.constant 2 : i32
        %get3A_729 = arith.index_cast %get3A_728 : i32 to index
        %get3A_730 = arith.index_cast %add3A_727 : i32 to index
        %get3A_731 = arith.constant 32 : index
        %get3A_732 = tpu.vector_load %arg6[%get3A_729, %get3A_730, %get3A_731] {strides = array<i32>} : memref<4x200x64xf32, #tpu.memory_space<vmem>>, vector<1x1x16xf32>,
        %get3A_733 = vector.shape_cast %get3A_732 : vector<1x1x16xf32> to vector<16xf32>
        %add3A_734 = arith.addf %add3A_662, %get3A_733 : vector<16xf32>
        %add3A_735 = arith.constant 7 : i32
        %add3A_736 = arith.addi %mul3A_456, %add3A_735 : i32
        %get3A_737 = arith.constant 2 : i32
        %get3A_738 = arith.index_cast %get3A_737 : i32 to index
        %get3A_739 = arith.index_cast %add3A_736 : i32 to index
        %get3A_740 = arith.constant 48 : index
        %get3A_741 = tpu.vector_load %arg6[%get3A_738, %get3A_739, %get3A_740] {strides = array<i32>} : memref<4x200x64xf32, #tpu.memory_space<vmem>>, vector<1x1x16xf32>,
        %get3A_742 = vector.shape_cast %get3A_741 : vector<1x1x16xf32> to vector<16xf32>
        %add3A_743 = arith.addf %add3A_671, %get3A_742 : vector<16xf32>
        scf.yield %add3A_680, %add3A_689, %add3A_698, %add3A_707, %add3A_716, %add3A_725, %add3A_734, %add3A_743 : vector<16xf32>, vector<16xf32>, vector<16xf32>, vector<16xf32>, vector<16xf32>, vector<16xf32>, vector<16xf32>, vector<16xf32>
      }
      %scan3A_327 = arith.constant 25 : i32
      %add3A_328 = arith.addf %scan3A_326#0, %scan3A_326#4 : vector<16xf32>
      %swap3A_329 = arith.index_cast %add3A_275 : i32 to index
      %swap3A_330 = arith.constant 0 : index
      %swap3A_331 = tpu.vector_load %arg7[%swap3A_329, %swap3A_330] {strides = array<i32>} : memref<128x64xf32, #tpu.memory_space<vmem>>, vector<1x16xf32>,
      %swap3A_332 = vector.shape_cast %swap3A_331 : vector<1x16xf32> to vector<16xf32>
      %swap3A_333 = vector.shape_cast %add3A_328 : vector<16xf32> to vector<1x16xf32>
      tpu.vector_store %arg7[%swap3A_329, %swap3A_330], %swap3A_333 {strides = array<i32>} : memref<128x64xf32, #tpu.memory_space<vmem>>, vector<1x16xf32>,
      %add3A_334 = arith.addf %scan3A_326#1, %scan3A_326#5 : vector<16xf32>
      %swap3A_335 = arith.index_cast %add3A_275 : i32 to index
      %swap3A_336 = arith.constant 16 : index
      %swap3A_337 = tpu.vector_load %arg7[%swap3A_335, %swap3A_336] {strides = array<i32>} : memref<128x64xf32, #tpu.memory_space<vmem>>, vector<1x16xf32>,
      %swap3A_338 = vector.shape_cast %swap3A_337 : vector<1x16xf32> to vector<16xf32>
      %swap3A_339 = vector.shape_cast %add3A_334 : vector<16xf32> to vector<1x16xf32>
      tpu.vector_store %arg7[%swap3A_335, %swap3A_336], %swap3A_339 {strides = array<i32>} : memref<128x64xf32, #tpu.memory_space<vmem>>, vector<1x16xf32>,
      %add3A_340 = arith.addf %scan3A_326#2, %scan3A_326#6 : vector<16xf32>
      %swap3A_341 = arith.index_cast %add3A_275 : i32 to index
      %swap3A_342 = arith.constant 32 : index
      %swap3A_343 = tpu.vector_load %arg7[%swap3A_341, %swap3A_342] {strides = array<i32>} : memref<128x64xf32, #tpu.memory_space<vmem>>, vector<1x16xf32>,
      %swap3A_344 = vector.shape_cast %swap3A_343 : vector<1x16xf32> to vector<16xf32>
      %swap3A_345 = vector.shape_cast %add3A_340 : vector<16xf32> to vector<1x16xf32>
      tpu.vector_store %arg7[%swap3A_341, %swap3A_342], %swap3A_345 {strides = array<i32>} : memref<128x64xf32, #tpu.memory_space<vmem>>, vector<1x16xf32>,
      %add3A_346 = arith.addf %scan3A_326#3, %scan3A_326#7 : vector<16xf32>
      %swap3A_347 = arith.index_cast %add3A_275 : i32 to index
      %swap3A_348 = arith.constant 48 : index
      %swap3A_349 = tpu.vector_load %arg7[%swap3A_347, %swap3A_348] {strides = array<i32>} : memref<128x64xf32, #tpu.memory_space<vmem>>, vector<1x16xf32>,
      %swap3A_350 = vector.shape_cast %swap3A_349 : vector<1x16xf32> to vector<16xf32>
      %swap3A_351 = vector.shape_cast %add3A_346 : vector<16xf32> to vector<1x16xf32>
      tpu.vector_store %arg7[%swap3A_347, %swap3A_348], %swap3A_351 {strides = array<i32>} : memref<128x64xf32, #tpu.memory_space<vmem>>, vector<1x16xf32>,
      %add3A_352 = arith.constant 4 : i32
      %add3A_353 = arith.addi %add3A_275, %add3A_352 : i32
      %lt3A_354 = arith.constant 128 : i32
      %lt3A_355 = arith.cmpi slt, %add3A_353, %lt3A_354 : i32
      %convert_element_type3A_356 = arith.extui %lt3A_355 : i1 to i32
      %cond3A_357 = arith.constant 0 : i32
      %cond3A_358 = arith.cmpi ne, %convert_element_type3A_356, %cond3A_357 : i32
      scf.if %cond3A_358 {
        %add3A_446 = arith.constant 4 : i32
        %add3A_447 = arith.addi %add3A_275, %add3A_446 : i32
        %dma_start3A_448 = arith.constant 2 : i32
        %dma_start3A_449 = arith.constant 0 : i32
        %dma_start3A_450 = arith.constant 0 : i32
        %dma_start3A_451 = tpu.memref_slice %arg6[%dma_start3A_448, %dma_start3A_449, %dma_start3A_450] : memref<4x200x64xf32, #tpu.memory_space<vmem>> -> memref<1x104x64xf32, #tpu.memory_space<vmem>>
        %dma_start3A_452 = tpu.memref_squeeze %dma_start3A_451 : memref<1x104x64xf32, #tpu.memory_space<vmem>> -> memref<104x64xf32, #tpu.memory_space<vmem>>
        %dma_start3A_453 = arith.constant 0 : i32
        %dma_start3A_454 = tpu.memref_slice %arg5[%add3A_447, %dma_start3A_453] : memref<128x200xi32, #tpu.memory_space<vmem>> -> memref<1x104xi32, #tpu.memory_space<vmem>>
        %dma_start3A_455 = tpu.memref_squeeze %dma_start3A_454 : memref<1x104xi32, #tpu.memory_space<vmem>> -> memref<104xi32, #tpu.memory_space<vmem>>
        %dma_start3A_456 = arith.constant 0 : i32
        %dma_start3A_457 = arith.constant 0 : i32
        %dma_start3A_458 = tpu.memref_slice %arg3[%dma_start3A_456, %dma_start3A_457] : memref<1000000x64xf32, #tpu.memory_space<hbm>> -> memref<1000000x64xf32, #tpu.memory_space<hbm>>
        tpu.enqueue_indirect_dma source(%dma_start3A_458 : memref<1000000x64xf32, #tpu.memory_space<hbm>>) target(%dma_start3A_452 : memref<104x64xf32, #tpu.memory_space<vmem>>) offsets(%dma_start3A_455 : memref<104xi32, #tpu.memory_space<vmem>>) semaphore(%arg10 : memref<!tpu.dma_semaphore, #tpu.memory_space<semaphore_mem>>)
        %dma_start3A_459 = arith.constant 2 : i32
        %dma_start3A_460 = arith.constant 104 : i32
        %dma_start3A_461 = arith.constant 0 : i32
        %dma_start3A_462 = tpu.memref_slice %arg6[%dma_start3A_459, %dma_start3A_460, %dma_start3A_461] : memref<4x200x64xf32, #tpu.memory_space<vmem>> -> memref<1x96x64xf32, #tpu.memory_space<vmem>>
        %dma_start3A_463 = tpu.memref_squeeze %dma_start3A_462 : memref<1x96x64xf32, #tpu.memory_space<vmem>> -> memref<96x64xf32, #tpu.memory_space<vmem>>
        %dma_start3A_464 = arith.constant 104 : i32
        %dma_start3A_465 = tpu.memref_slice %arg5[%add3A_447, %dma_start3A_464] : memref<128x200xi32, #tpu.memory_space<vmem>> -> memref<1x96xi32, #tpu.memory_space<vmem>>
        %dma_start3A_466 = tpu.memref_squeeze %dma_start3A_465 : memref<1x96xi32, #tpu.memory_space<vmem>> -> memref<96xi32, #tpu.memory_space<vmem>>
        %dma_start3A_467 = arith.constant 0 : i32
        %dma_start3A_468 = arith.constant 0 : i32
        %dma_start3A_469 = tpu.memref_slice %arg3[%dma_start3A_467, %dma_start3A_468] : memref<1000000x64xf32, #tpu.memory_space<hbm>> -> memref<1000000x64xf32, #tpu.memory_space<hbm>>
        tpu.enqueue_indirect_dma source(%dma_start3A_469 : memref<1000000x64xf32, #tpu.memory_space<hbm>>) target(%dma_start3A_463 : memref<96x64xf32, #tpu.memory_space<vmem>>) offsets(%dma_start3A_466 : memref<96xi32, #tpu.memory_space<vmem>>) semaphore(%arg10 : memref<!tpu.dma_semaphore, #tpu.memory_space<semaphore_mem>>)
      } else {
      }
      %mul3A_359 = arith.constant 4 : i32
      %mul3A_360 = arith.muli %scan3A_103, %mul3A_359 : i32
      %add3A_361 = arith.constant 3 : i32
      %add3A_362 = arith.addi %mul3A_360, %add3A_361 : i32
      %dma_wait3A_363 = arith.constant 3 : i32
      %dma_wait3A_364 = arith.constant 0 : i32
      %dma_wait3A_365 = arith.constant 0 : i32
      %dma_wait3A_366 = tpu.memref_slice %arg6[%dma_wait3A_363, %dma_wait3A_364, %dma_wait3A_365] : memref<4x200x64xf32, #tpu.memory_space<vmem>> -> memref<1x104x64xf32, #tpu.memory_space<vmem>>
      %dma_wait3A_367 = tpu.memref_squeeze %dma_wait3A_366 : memref<1x104x64xf32, #tpu.memory_space<vmem>> -> memref<104x64xf32, #tpu.memory_space<vmem>>
      %dma_wait3A_368 = arith.constant 0 : i32
      %dma_wait3A_369 = arith.constant 0 : i32
      %dma_wait3A_370 = tpu.memref_slice %arg3[%dma_wait3A_368, %dma_wait3A_369] : memref<1000000x64xf32, #tpu.memory_space<hbm>> -> memref<104x64xf32, #tpu.memory_space<hbm>>
      %dma_wait3A_371 = arith.constant 0 : i32
      %dma_wait3A_372 = arith.constant 0 : i32
      %dma_wait3A_373 = tpu.memref_slice %arg6[%dma_wait3A_363, %dma_wait3A_371, %dma_wait3A_372] : memref<4x200x64xf32, #tpu.memory_space<vmem>> -> memref<1x104x64xf32, #tpu.memory_space<vmem>>
      %dma_wait3A_374 = tpu.memref_squeeze %dma_wait3A_373 : memref<1x104x64xf32, #tpu.memory_space<vmem>> -> memref<104x64xf32, #tpu.memory_space<vmem>>
      %dma_wait3A_375 = arith.constant 0 : i32
      %dma_wait3A_376 = arith.constant 0 : i32
      %dma_wait3A_377 = tpu.memref_slice %arg3[%dma_wait3A_375, %dma_wait3A_376] : memref<1000000x64xf32, #tpu.memory_space<hbm>> -> memref<104x64xf32, #tpu.memory_space<hbm>>
      tpu.wait_dma2 semaphore(%arg11 : memref<!tpu.dma_semaphore, #tpu.memory_space<semaphore_mem>>) src(%dma_wait3A_377 : memref<104x64xf32, #tpu.memory_space<hbm>>) dst(%dma_wait3A_374 : memref<104x64xf32, #tpu.memory_space<vmem>>)
      %dma_wait3A_378 = arith.constant 3 : i32
      %dma_wait3A_379 = arith.constant 104 : i32
      %dma_wait3A_380 = arith.constant 0 : i32
      %dma_wait3A_381 = tpu.memref_slice %arg6[%dma_wait3A_378, %dma_wait3A_379, %dma_wait3A_380] : memref<4x200x64xf32, #tpu.memory_space<vmem>> -> memref<1x96x64xf32, #tpu.memory_space<vmem>>
      %dma_wait3A_382 = tpu.memref_squeeze %dma_wait3A_381 : memref<1x96x64xf32, #tpu.memory_space<vmem>> -> memref<96x64xf32, #tpu.memory_space<vmem>>
      %dma_wait3A_383 = arith.constant 0 : i32
      %dma_wait3A_384 = arith.constant 0 : i32
      %dma_wait3A_385 = tpu.memref_slice %arg3[%dma_wait3A_383, %dma_wait3A_384] : memref<1000000x64xf32, #tpu.memory_space<hbm>> -> memref<96x64xf32, #tpu.memory_space<hbm>>
      %dma_wait3A_386 = arith.constant 104 : i32
      %dma_wait3A_387 = arith.constant 0 : i32
      %dma_wait3A_388 = tpu.memref_slice %arg6[%dma_wait3A_378, %dma_wait3A_386, %dma_wait3A_387] : memref<4x200x64xf32, #tpu.memory_space<vmem>> -> memref<1x96x64xf32, #tpu.memory_space<vmem>>
      %dma_wait3A_389 = tpu.memref_squeeze %dma_wait3A_388 : memref<1x96x64xf32, #tpu.memory_space<vmem>> -> memref<96x64xf32, #tpu.memory_space<vmem>>
      %dma_wait3A_390 = arith.constant 0 : i32
      %dma_wait3A_391 = arith.constant 0 : i32
      %dma_wait3A_392 = tpu.memref_slice %arg3[%dma_wait3A_390, %dma_wait3A_391] : memref<1000000x64xf32, #tpu.memory_space<hbm>> -> memref<96x64xf32, #tpu.memory_space<hbm>>
      tpu.wait_dma2 semaphore(%arg11 : memref<!tpu.dma_semaphore, #tpu.memory_space<semaphore_mem>>) src(%dma_wait3A_392 : memref<96x64xf32, #tpu.memory_space<hbm>>) dst(%dma_wait3A_389 : memref<96x64xf32, #tpu.memory_space<vmem>>)
      %broadcast_in_dim3A_393 = arith.constant 0.000000e+00 : f32
      %broadcast_in_dim3A_394 = vector.broadcast %broadcast_in_dim3A_393 : f32 to vector<16xf32>
      %broadcast_in_dim3A_395 = arith.constant 0.000000e+00 : f32
      %broadcast_in_dim3A_396 = vector.broadcast %broadcast_in_dim3A_395 : f32 to vector<16xf32>
      %broadcast_in_dim3A_397 = arith.constant 0.000000e+00 : f32
      %broadcast_in_dim3A_398 = vector.broadcast %broadcast_in_dim3A_397 : f32 to vector<16xf32>
      %broadcast_in_dim3A_399 = arith.constant 0.000000e+00 : f32
      %broadcast_in_dim3A_400 = vector.broadcast %broadcast_in_dim3A_399 : f32 to vector<16xf32>
      %broadcast_in_dim3A_401 = arith.constant 0.000000e+00 : f32
      %broadcast_in_dim3A_402 = vector.broadcast %broadcast_in_dim3A_401 : f32 to vector<16xf32>
      %broadcast_in_dim3A_403 = arith.constant 0.000000e+00 : f32
      %broadcast_in_dim3A_404 = vector.broadcast %broadcast_in_dim3A_403 : f32 to vector<16xf32>
      %broadcast_in_dim3A_405 = arith.constant 0.000000e+00 : f32
      %broadcast_in_dim3A_406 = vector.broadcast %broadcast_in_dim3A_405 : f32 to vector<16xf32>
      %broadcast_in_dim3A_407 = arith.constant 0.000000e+00 : f32
      %broadcast_in_dim3A_408 = vector.broadcast %broadcast_in_dim3A_407 : f32 to vector<16xf32>
      %scan3A_409 = arith.constant 0 : i32
      %scan3A_410 = arith.constant 25 : i32
      %scan3A_411 = arith.addi %scan3A_409, %scan3A_410 : i32
      %scan3A_412 = arith.constant 1 : i32
      %scan3A_413:8 = scf.for %scan3A_446 = %scan3A_409 to %scan3A_411 step %scan3A_412 iter_args(%scan3A_447 = %broadcast_in_dim3A_394, %scan3A_448 = %broadcast_in_dim3A_396, %scan3A_449 = %broadcast_in_dim3A_398, %scan3A_450 = %broadcast_in_dim3A_400, %scan3A_451 = %broadcast_in_dim3A_402, %scan3A_452 = %broadcast_in_dim3A_404, %scan3A_453 = %broadcast_in_dim3A_406, %scan3A_454 = %broadcast_in_dim3A_408) -> (vector<16xf32>, vector<16xf32>, vector<16xf32>, vector<16xf32>, vector<16xf32>, vector<16xf32>, vector<16xf32>, vector<16xf32>)  : i32 {
        %mul3A_455 = arith.constant 8 : i32
        %mul3A_456 = arith.muli %scan3A_446, %mul3A_455 : i32
        %add3A_457 = arith.constant 0 : i32
        %add3A_458 = arith.addi %mul3A_456, %add3A_457 : i32
        %get3A = arith.constant 3 : i32
        %get3A_459 = arith.index_cast %get3A : i32 to index
        %get3A_460 = arith.index_cast %add3A_458 : i32 to index
        %get3A_461 = arith.constant 0 : index
        %get3A_462 = tpu.vector_load %arg6[%get3A_459, %get3A_460, %get3A_461] {strides = array<i32>} : memref<4x200x64xf32, #tpu.memory_space<vmem>>, vector<1x1x16xf32>,
        %get3A_463 = vector.shape_cast %get3A_462 : vector<1x1x16xf32> to vector<16xf32>
        %add3A_464 = arith.addf %scan3A_447, %get3A_463 : vector<16xf32>
        %add3A_465 = arith.constant 0 : i32
        %add3A_466 = arith.addi %mul3A_456, %add3A_465 : i32
        %get3A_467 = arith.constant 3 : i32
        %get3A_468 = arith.index_cast %get3A_467 : i32 to index
        %get3A_469 = arith.index_cast %add3A_466 : i32 to index
        %get3A_470 = arith.constant 16 : index
        %get3A_471 = tpu.vector_load %arg6[%get3A_468, %get3A_469, %get3A_470] {strides = array<i32>} : memref<4x200x64xf32, #tpu.memory_space<vmem>>, vector<1x1x16xf32>,
        %get3A_472 = vector.shape_cast %get3A_471 : vector<1x1x16xf32> to vector<16xf32>
        %add3A_473 = arith.addf %scan3A_448, %get3A_472 : vector<16xf32>
        %add3A_474 = arith.constant 0 : i32
        %add3A_475 = arith.addi %mul3A_456, %add3A_474 : i32
        %get3A_476 = arith.constant 3 : i32
        %get3A_477 = arith.index_cast %get3A_476 : i32 to index
        %get3A_478 = arith.index_cast %add3A_475 : i32 to index
        %get3A_479 = arith.constant 32 : index
        %get3A_480 = tpu.vector_load %arg6[%get3A_477, %get3A_478, %get3A_479] {strides = array<i32>} : memref<4x200x64xf32, #tpu.memory_space<vmem>>, vector<1x1x16xf32>,
        %get3A_481 = vector.shape_cast %get3A_480 : vector<1x1x16xf32> to vector<16xf32>
        %add3A_482 = arith.addf %scan3A_449, %get3A_481 : vector<16xf32>
        %add3A_483 = arith.constant 0 : i32
        %add3A_484 = arith.addi %mul3A_456, %add3A_483 : i32
        %get3A_485 = arith.constant 3 : i32
        %get3A_486 = arith.index_cast %get3A_485 : i32 to index
        %get3A_487 = arith.index_cast %add3A_484 : i32 to index
        %get3A_488 = arith.constant 48 : index
        %get3A_489 = tpu.vector_load %arg6[%get3A_486, %get3A_487, %get3A_488] {strides = array<i32>} : memref<4x200x64xf32, #tpu.memory_space<vmem>>, vector<1x1x16xf32>,
        %get3A_490 = vector.shape_cast %get3A_489 : vector<1x1x16xf32> to vector<16xf32>
        %add3A_491 = arith.addf %scan3A_450, %get3A_490 : vector<16xf32>
        %add3A_492 = arith.constant 1 : i32
        %add3A_493 = arith.addi %mul3A_456, %add3A_492 : i32
        %get3A_494 = arith.constant 3 : i32
        %get3A_495 = arith.index_cast %get3A_494 : i32 to index
        %get3A_496 = arith.index_cast %add3A_493 : i32 to index
        %get3A_497 = arith.constant 0 : index
        %get3A_498 = tpu.vector_load %arg6[%get3A_495, %get3A_496, %get3A_497] {strides = array<i32>} : memref<4x200x64xf32, #tpu.memory_space<vmem>>, vector<1x1x16xf32>,
        %get3A_499 = vector.shape_cast %get3A_498 : vector<1x1x16xf32> to vector<16xf32>
        %add3A_500 = arith.addf %scan3A_451, %get3A_499 : vector<16xf32>
        %add3A_501 = arith.constant 1 : i32
        %add3A_502 = arith.addi %mul3A_456, %add3A_501 : i32
        %get3A_503 = arith.constant 3 : i32
        %get3A_504 = arith.index_cast %get3A_503 : i32 to index
        %get3A_505 = arith.index_cast %add3A_502 : i32 to index
        %get3A_506 = arith.constant 16 : index
        %get3A_507 = tpu.vector_load %arg6[%get3A_504, %get3A_505, %get3A_506] {strides = array<i32>} : memref<4x200x64xf32, #tpu.memory_space<vmem>>, vector<1x1x16xf32>,
        %get3A_508 = vector.shape_cast %get3A_507 : vector<1x1x16xf32> to vector<16xf32>
        %add3A_509 = arith.addf %scan3A_452, %get3A_508 : vector<16xf32>
        %add3A_510 = arith.constant 1 : i32
        %add3A_511 = arith.addi %mul3A_456, %add3A_510 : i32
        %get3A_512 = arith.constant 3 : i32
        %get3A_513 = arith.index_cast %get3A_512 : i32 to index
        %get3A_514 = arith.index_cast %add3A_511 : i32 to index
        %get3A_515 = arith.constant 32 : index
        %get3A_516 = tpu.vector_load %arg6[%get3A_513, %get3A_514, %get3A_515] {strides = array<i32>} : memref<4x200x64xf32, #tpu.memory_space<vmem>>, vector<1x1x16xf32>,
        %get3A_517 = vector.shape_cast %get3A_516 : vector<1x1x16xf32> to vector<16xf32>
        %add3A_518 = arith.addf %scan3A_453, %get3A_517 : vector<16xf32>
        %add3A_519 = arith.constant 1 : i32
        %add3A_520 = arith.addi %mul3A_456, %add3A_519 : i32
        %get3A_521 = arith.constant 3 : i32
        %get3A_522 = arith.index_cast %get3A_521 : i32 to index
        %get3A_523 = arith.index_cast %add3A_520 : i32 to index
        %get3A_524 = arith.constant 48 : index
        %get3A_525 = tpu.vector_load %arg6[%get3A_522, %get3A_523, %get3A_524] {strides = array<i32>} : memref<4x200x64xf32, #tpu.memory_space<vmem>>, vector<1x1x16xf32>,
        %get3A_526 = vector.shape_cast %get3A_525 : vector<1x1x16xf32> to vector<16xf32>
        %add3A_527 = arith.addf %scan3A_454, %get3A_526 : vector<16xf32>
        %add3A_528 = arith.constant 2 : i32
        %add3A_529 = arith.addi %mul3A_456, %add3A_528 : i32
        %get3A_530 = arith.constant 3 : i32
        %get3A_531 = arith.index_cast %get3A_530 : i32 to index
        %get3A_532 = arith.index_cast %add3A_529 : i32 to index
        %get3A_533 = arith.constant 0 : index
        %get3A_534 = tpu.vector_load %arg6[%get3A_531, %get3A_532, %get3A_533] {strides = array<i32>} : memref<4x200x64xf32, #tpu.memory_space<vmem>>, vector<1x1x16xf32>,
        %get3A_535 = vector.shape_cast %get3A_534 : vector<1x1x16xf32> to vector<16xf32>
        %add3A_536 = arith.addf %add3A_464, %get3A_535 : vector<16xf32>
        %add3A_537 = arith.constant 2 : i32
        %add3A_538 = arith.addi %mul3A_456, %add3A_537 : i32
        %get3A_539 = arith.constant 3 : i32
        %get3A_540 = arith.index_cast %get3A_539 : i32 to index
        %get3A_541 = arith.index_cast %add3A_538 : i32 to index
        %get3A_542 = arith.constant 16 : index
        %get3A_543 = tpu.vector_load %arg6[%get3A_540, %get3A_541, %get3A_542] {strides = array<i32>} : memref<4x200x64xf32, #tpu.memory_space<vmem>>, vector<1x1x16xf32>,
        %get3A_544 = vector.shape_cast %get3A_543 : vector<1x1x16xf32> to vector<16xf32>
        %add3A_545 = arith.addf %add3A_473, %get3A_544 : vector<16xf32>
        %add3A_546 = arith.constant 2 : i32
        %add3A_547 = arith.addi %mul3A_456, %add3A_546 : i32
        %get3A_548 = arith.constant 3 : i32
        %get3A_549 = arith.index_cast %get3A_548 : i32 to index
        %get3A_550 = arith.index_cast %add3A_547 : i32 to index
        %get3A_551 = arith.constant 32 : index
        %get3A_552 = tpu.vector_load %arg6[%get3A_549, %get3A_550, %get3A_551] {strides = array<i32>} : memref<4x200x64xf32, #tpu.memory_space<vmem>>, vector<1x1x16xf32>,
        %get3A_553 = vector.shape_cast %get3A_552 : vector<1x1x16xf32> to vector<16xf32>
        %add3A_554 = arith.addf %add3A_482, %get3A_553 : vector<16xf32>
        %add3A_555 = arith.constant 2 : i32
        %add3A_556 = arith.addi %mul3A_456, %add3A_555 : i32
        %get3A_557 = arith.constant 3 : i32
        %get3A_558 = arith.index_cast %get3A_557 : i32 to index
        %get3A_559 = arith.index_cast %add3A_556 : i32 to index
        %get3A_560 = arith.constant 48 : index
        %get3A_561 = tpu.vector_load %arg6[%get3A_558, %get3A_559, %get3A_560] {strides = array<i32>} : memref<4x200x64xf32, #tpu.memory_space<vmem>>, vector<1x1x16xf32>,
        %get3A_562 = vector.shape_cast %get3A_561 : vector<1x1x16xf32> to vector<16xf32>
        %add3A_563 = arith.addf %add3A_491, %get3A_562 : vector<16xf32>
        %add3A_564 = arith.constant 3 : i32
        %add3A_565 = arith.addi %mul3A_456, %add3A_564 : i32
        %get3A_566 = arith.constant 3 : i32
        %get3A_567 = arith.index_cast %get3A_566 : i32 to index
        %get3A_568 = arith.index_cast %add3A_565 : i32 to index
        %get3A_569 = arith.constant 0 : index
        %get3A_570 = tpu.vector_load %arg6[%get3A_567, %get3A_568, %get3A_569] {strides = array<i32>} : memref<4x200x64xf32, #tpu.memory_space<vmem>>, vector<1x1x16xf32>,
        %get3A_571 = vector.shape_cast %get3A_570 : vector<1x1x16xf32> to vector<16xf32>
        %add3A_572 = arith.addf %add3A_500, %get3A_571 : vector<16xf32>
        %add3A_573 = arith.constant 3 : i32
        %add3A_574 = arith.addi %mul3A_456, %add3A_573 : i32
        %get3A_575 = arith.constant 3 : i32
        %get3A_576 = arith.index_cast %get3A_575 : i32 to index
        %get3A_577 = arith.index_cast %add3A_574 : i32 to index
        %get3A_578 = arith.constant 16 : index
        %get3A_579 = tpu.vector_load %arg6[%get3A_576, %get3A_577, %get3A_578] {strides = array<i32>} : memref<4x200x64xf32, #tpu.memory_space<vmem>>, vector<1x1x16xf32>,
        %get3A_580 = vector.shape_cast %get3A_579 : vector<1x1x16xf32> to vector<16xf32>
        %add3A_581 = arith.addf %add3A_509, %get3A_580 : vector<16xf32>
        %add3A_582 = arith.constant 3 : i32
        %add3A_583 = arith.addi %mul3A_456, %add3A_582 : i32
        %get3A_584 = arith.constant 3 : i32
        %get3A_585 = arith.index_cast %get3A_584 : i32 to index
        %get3A_586 = arith.index_cast %add3A_583 : i32 to index
        %get3A_587 = arith.constant 32 : index
        %get3A_588 = tpu.vector_load %arg6[%get3A_585, %get3A_586, %get3A_587] {strides = array<i32>} : memref<4x200x64xf32, #tpu.memory_space<vmem>>, vector<1x1x16xf32>,
        %get3A_589 = vector.shape_cast %get3A_588 : vector<1x1x16xf32> to vector<16xf32>
        %add3A_590 = arith.addf %add3A_518, %get3A_589 : vector<16xf32>
        %add3A_591 = arith.constant 3 : i32
        %add3A_592 = arith.addi %mul3A_456, %add3A_591 : i32
        %get3A_593 = arith.constant 3 : i32
        %get3A_594 = arith.index_cast %get3A_593 : i32 to index
        %get3A_595 = arith.index_cast %add3A_592 : i32 to index
        %get3A_596 = arith.constant 48 : index
        %get3A_597 = tpu.vector_load %arg6[%get3A_594, %get3A_595, %get3A_596] {strides = array<i32>} : memref<4x200x64xf32, #tpu.memory_space<vmem>>, vector<1x1x16xf32>,
        %get3A_598 = vector.shape_cast %get3A_597 : vector<1x1x16xf32> to vector<16xf32>
        %add3A_599 = arith.addf %add3A_527, %get3A_598 : vector<16xf32>
        %add3A_600 = arith.constant 4 : i32
        %add3A_601 = arith.addi %mul3A_456, %add3A_600 : i32
        %get3A_602 = arith.constant 3 : i32
        %get3A_603 = arith.index_cast %get3A_602 : i32 to index
        %get3A_604 = arith.index_cast %add3A_601 : i32 to index
        %get3A_605 = arith.constant 0 : index
        %get3A_606 = tpu.vector_load %arg6[%get3A_603, %get3A_604, %get3A_605] {strides = array<i32>} : memref<4x200x64xf32, #tpu.memory_space<vmem>>, vector<1x1x16xf32>,
        %get3A_607 = vector.shape_cast %get3A_606 : vector<1x1x16xf32> to vector<16xf32>
        %add3A_608 = arith.addf %add3A_536, %get3A_607 : vector<16xf32>
        %add3A_609 = arith.constant 4 : i32
        %add3A_610 = arith.addi %mul3A_456, %add3A_609 : i32
        %get3A_611 = arith.constant 3 : i32
        %get3A_612 = arith.index_cast %get3A_611 : i32 to index
        %get3A_613 = arith.index_cast %add3A_610 : i32 to index
        %get3A_614 = arith.constant 16 : index
        %get3A_615 = tpu.vector_load %arg6[%get3A_612, %get3A_613, %get3A_614] {strides = array<i32>} : memref<4x200x64xf32, #tpu.memory_space<vmem>>, vector<1x1x16xf32>,
        %get3A_616 = vector.shape_cast %get3A_615 : vector<1x1x16xf32> to vector<16xf32>
        %add3A_617 = arith.addf %add3A_545, %get3A_616 : vector<16xf32>
        %add3A_618 = arith.constant 4 : i32
        %add3A_619 = arith.addi %mul3A_456, %add3A_618 : i32
        %get3A_620 = arith.constant 3 : i32
        %get3A_621 = arith.index_cast %get3A_620 : i32 to index
        %get3A_622 = arith.index_cast %add3A_619 : i32 to index
        %get3A_623 = arith.constant 32 : index
        %get3A_624 = tpu.vector_load %arg6[%get3A_621, %get3A_622, %get3A_623] {strides = array<i32>} : memref<4x200x64xf32, #tpu.memory_space<vmem>>, vector<1x1x16xf32>,
        %get3A_625 = vector.shape_cast %get3A_624 : vector<1x1x16xf32> to vector<16xf32>
        %add3A_626 = arith.addf %add3A_554, %get3A_625 : vector<16xf32>
        %add3A_627 = arith.constant 4 : i32
        %add3A_628 = arith.addi %mul3A_456, %add3A_627 : i32
        %get3A_629 = arith.constant 3 : i32
        %get3A_630 = arith.index_cast %get3A_629 : i32 to index
        %get3A_631 = arith.index_cast %add3A_628 : i32 to index
        %get3A_632 = arith.constant 48 : index
        %get3A_633 = tpu.vector_load %arg6[%get3A_630, %get3A_631, %get3A_632] {strides = array<i32>} : memref<4x200x64xf32, #tpu.memory_space<vmem>>, vector<1x1x16xf32>,
        %get3A_634 = vector.shape_cast %get3A_633 : vector<1x1x16xf32> to vector<16xf32>
        %add3A_635 = arith.addf %add3A_563, %get3A_634 : vector<16xf32>
        %add3A_636 = arith.constant 5 : i32
        %add3A_637 = arith.addi %mul3A_456, %add3A_636 : i32
        %get3A_638 = arith.constant 3 : i32
        %get3A_639 = arith.index_cast %get3A_638 : i32 to index
        %get3A_640 = arith.index_cast %add3A_637 : i32 to index
        %get3A_641 = arith.constant 0 : index
        %get3A_642 = tpu.vector_load %arg6[%get3A_639, %get3A_640, %get3A_641] {strides = array<i32>} : memref<4x200x64xf32, #tpu.memory_space<vmem>>, vector<1x1x16xf32>,
        %get3A_643 = vector.shape_cast %get3A_642 : vector<1x1x16xf32> to vector<16xf32>
        %add3A_644 = arith.addf %add3A_572, %get3A_643 : vector<16xf32>
        %add3A_645 = arith.constant 5 : i32
        %add3A_646 = arith.addi %mul3A_456, %add3A_645 : i32
        %get3A_647 = arith.constant 3 : i32
        %get3A_648 = arith.index_cast %get3A_647 : i32 to index
        %get3A_649 = arith.index_cast %add3A_646 : i32 to index
        %get3A_650 = arith.constant 16 : index
        %get3A_651 = tpu.vector_load %arg6[%get3A_648, %get3A_649, %get3A_650] {strides = array<i32>} : memref<4x200x64xf32, #tpu.memory_space<vmem>>, vector<1x1x16xf32>,
        %get3A_652 = vector.shape_cast %get3A_651 : vector<1x1x16xf32> to vector<16xf32>
        %add3A_653 = arith.addf %add3A_581, %get3A_652 : vector<16xf32>
        %add3A_654 = arith.constant 5 : i32
        %add3A_655 = arith.addi %mul3A_456, %add3A_654 : i32
        %get3A_656 = arith.constant 3 : i32
        %get3A_657 = arith.index_cast %get3A_656 : i32 to index
        %get3A_658 = arith.index_cast %add3A_655 : i32 to index
        %get3A_659 = arith.constant 32 : index
        %get3A_660 = tpu.vector_load %arg6[%get3A_657, %get3A_658, %get3A_659] {strides = array<i32>} : memref<4x200x64xf32, #tpu.memory_space<vmem>>, vector<1x1x16xf32>,
        %get3A_661 = vector.shape_cast %get3A_660 : vector<1x1x16xf32> to vector<16xf32>
        %add3A_662 = arith.addf %add3A_590, %get3A_661 : vector<16xf32>
        %add3A_663 = arith.constant 5 : i32
        %add3A_664 = arith.addi %mul3A_456, %add3A_663 : i32
        %get3A_665 = arith.constant 3 : i32
        %get3A_666 = arith.index_cast %get3A_665 : i32 to index
        %get3A_667 = arith.index_cast %add3A_664 : i32 to index
        %get3A_668 = arith.constant 48 : index
        %get3A_669 = tpu.vector_load %arg6[%get3A_666, %get3A_667, %get3A_668] {strides = array<i32>} : memref<4x200x64xf32, #tpu.memory_space<vmem>>, vector<1x1x16xf32>,
        %get3A_670 = vector.shape_cast %get3A_669 : vector<1x1x16xf32> to vector<16xf32>
        %add3A_671 = arith.addf %add3A_599, %get3A_670 : vector<16xf32>
        %add3A_672 = arith.constant 6 : i32
        %add3A_673 = arith.addi %mul3A_456, %add3A_672 : i32
        %get3A_674 = arith.constant 3 : i32
        %get3A_675 = arith.index_cast %get3A_674 : i32 to index
        %get3A_676 = arith.index_cast %add3A_673 : i32 to index
        %get3A_677 = arith.constant 0 : index
        %get3A_678 = tpu.vector_load %arg6[%get3A_675, %get3A_676, %get3A_677] {strides = array<i32>} : memref<4x200x64xf32, #tpu.memory_space<vmem>>, vector<1x1x16xf32>,
        %get3A_679 = vector.shape_cast %get3A_678 : vector<1x1x16xf32> to vector<16xf32>
        %add3A_680 = arith.addf %add3A_608, %get3A_679 : vector<16xf32>
        %add3A_681 = arith.constant 6 : i32
        %add3A_682 = arith.addi %mul3A_456, %add3A_681 : i32
        %get3A_683 = arith.constant 3 : i32
        %get3A_684 = arith.index_cast %get3A_683 : i32 to index
        %get3A_685 = arith.index_cast %add3A_682 : i32 to index
        %get3A_686 = arith.constant 16 : index
        %get3A_687 = tpu.vector_load %arg6[%get3A_684, %get3A_685, %get3A_686] {strides = array<i32>} : memref<4x200x64xf32, #tpu.memory_space<vmem>>, vector<1x1x16xf32>,
        %get3A_688 = vector.shape_cast %get3A_687 : vector<1x1x16xf32> to vector<16xf32>
        %add3A_689 = arith.addf %add3A_617, %get3A_688 : vector<16xf32>
        %add3A_690 = arith.constant 6 : i32
        %add3A_691 = arith.addi %mul3A_456, %add3A_690 : i32
        %get3A_692 = arith.constant 3 : i32
        %get3A_693 = arith.index_cast %get3A_692 : i32 to index
        %get3A_694 = arith.index_cast %add3A_691 : i32 to index
        %get3A_695 = arith.constant 32 : index
        %get3A_696 = tpu.vector_load %arg6[%get3A_693, %get3A_694, %get3A_695] {strides = array<i32>} : memref<4x200x64xf32, #tpu.memory_space<vmem>>, vector<1x1x16xf32>,
        %get3A_697 = vector.shape_cast %get3A_696 : vector<1x1x16xf32> to vector<16xf32>
        %add3A_698 = arith.addf %add3A_626, %get3A_697 : vector<16xf32>
        %add3A_699 = arith.constant 6 : i32
        %add3A_700 = arith.addi %mul3A_456, %add3A_699 : i32
        %get3A_701 = arith.constant 3 : i32
        %get3A_702 = arith.index_cast %get3A_701 : i32 to index
        %get3A_703 = arith.index_cast %add3A_700 : i32 to index
        %get3A_704 = arith.constant 48 : index
        %get3A_705 = tpu.vector_load %arg6[%get3A_702, %get3A_703, %get3A_704] {strides = array<i32>} : memref<4x200x64xf32, #tpu.memory_space<vmem>>, vector<1x1x16xf32>,
        %get3A_706 = vector.shape_cast %get3A_705 : vector<1x1x16xf32> to vector<16xf32>
        %add3A_707 = arith.addf %add3A_635, %get3A_706 : vector<16xf32>
        %add3A_708 = arith.constant 7 : i32
        %add3A_709 = arith.addi %mul3A_456, %add3A_708 : i32
        %get3A_710 = arith.constant 3 : i32
        %get3A_711 = arith.index_cast %get3A_710 : i32 to index
        %get3A_712 = arith.index_cast %add3A_709 : i32 to index
        %get3A_713 = arith.constant 0 : index
        %get3A_714 = tpu.vector_load %arg6[%get3A_711, %get3A_712, %get3A_713] {strides = array<i32>} : memref<4x200x64xf32, #tpu.memory_space<vmem>>, vector<1x1x16xf32>,
        %get3A_715 = vector.shape_cast %get3A_714 : vector<1x1x16xf32> to vector<16xf32>
        %add3A_716 = arith.addf %add3A_644, %get3A_715 : vector<16xf32>
        %add3A_717 = arith.constant 7 : i32
        %add3A_718 = arith.addi %mul3A_456, %add3A_717 : i32
        %get3A_719 = arith.constant 3 : i32
        %get3A_720 = arith.index_cast %get3A_719 : i32 to index
        %get3A_721 = arith.index_cast %add3A_718 : i32 to index
        %get3A_722 = arith.constant 16 : index
        %get3A_723 = tpu.vector_load %arg6[%get3A_720, %get3A_721, %get3A_722] {strides = array<i32>} : memref<4x200x64xf32, #tpu.memory_space<vmem>>, vector<1x1x16xf32>,
        %get3A_724 = vector.shape_cast %get3A_723 : vector<1x1x16xf32> to vector<16xf32>
        %add3A_725 = arith.addf %add3A_653, %get3A_724 : vector<16xf32>
        %add3A_726 = arith.constant 7 : i32
        %add3A_727 = arith.addi %mul3A_456, %add3A_726 : i32
        %get3A_728 = arith.constant 3 : i32
        %get3A_729 = arith.index_cast %get3A_728 : i32 to index
        %get3A_730 = arith.index_cast %add3A_727 : i32 to index
        %get3A_731 = arith.constant 32 : index
        %get3A_732 = tpu.vector_load %arg6[%get3A_729, %get3A_730, %get3A_731] {strides = array<i32>} : memref<4x200x64xf32, #tpu.memory_space<vmem>>, vector<1x1x16xf32>,
        %get3A_733 = vector.shape_cast %get3A_732 : vector<1x1x16xf32> to vector<16xf32>
        %add3A_734 = arith.addf %add3A_662, %get3A_733 : vector<16xf32>
        %add3A_735 = arith.constant 7 : i32
        %add3A_736 = arith.addi %mul3A_456, %add3A_735 : i32
        %get3A_737 = arith.constant 3 : i32
        %get3A_738 = arith.index_cast %get3A_737 : i32 to index
        %get3A_739 = arith.index_cast %add3A_736 : i32 to index
        %get3A_740 = arith.constant 48 : index
        %get3A_741 = tpu.vector_load %arg6[%get3A_738, %get3A_739, %get3A_740] {strides = array<i32>} : memref<4x200x64xf32, #tpu.memory_space<vmem>>, vector<1x1x16xf32>,
        %get3A_742 = vector.shape_cast %get3A_741 : vector<1x1x16xf32> to vector<16xf32>
        %add3A_743 = arith.addf %add3A_671, %get3A_742 : vector<16xf32>
        scf.yield %add3A_680, %add3A_689, %add3A_698, %add3A_707, %add3A_716, %add3A_725, %add3A_734, %add3A_743 : vector<16xf32>, vector<16xf32>, vector<16xf32>, vector<16xf32>, vector<16xf32>, vector<16xf32>, vector<16xf32>, vector<16xf32>
      }
      %scan3A_414 = arith.constant 25 : i32
      %add3A_415 = arith.addf %scan3A_413#0, %scan3A_413#4 : vector<16xf32>
      %swap3A_416 = arith.index_cast %add3A_362 : i32 to index
      %swap3A_417 = arith.constant 0 : index
      %swap3A_418 = tpu.vector_load %arg7[%swap3A_416, %swap3A_417] {strides = array<i32>} : memref<128x64xf32, #tpu.memory_space<vmem>>, vector<1x16xf32>,
      %swap3A_419 = vector.shape_cast %swap3A_418 : vector<1x16xf32> to vector<16xf32>
      %swap3A_420 = vector.shape_cast %add3A_415 : vector<16xf32> to vector<1x16xf32>
      tpu.vector_store %arg7[%swap3A_416, %swap3A_417], %swap3A_420 {strides = array<i32>} : memref<128x64xf32, #tpu.memory_space<vmem>>, vector<1x16xf32>,
      %add3A_421 = arith.addf %scan3A_413#1, %scan3A_413#5 : vector<16xf32>
      %swap3A_422 = arith.index_cast %add3A_362 : i32 to index
      %swap3A_423 = arith.constant 16 : index
      %swap3A_424 = tpu.vector_load %arg7[%swap3A_422, %swap3A_423] {strides = array<i32>} : memref<128x64xf32, #tpu.memory_space<vmem>>, vector<1x16xf32>,
      %swap3A_425 = vector.shape_cast %swap3A_424 : vector<1x16xf32> to vector<16xf32>
      %swap3A_426 = vector.shape_cast %add3A_421 : vector<16xf32> to vector<1x16xf32>
      tpu.vector_store %arg7[%swap3A_422, %swap3A_423], %swap3A_426 {strides = array<i32>} : memref<128x64xf32, #tpu.memory_space<vmem>>, vector<1x16xf32>,
      %add3A_427 = arith.addf %scan3A_413#2, %scan3A_413#6 : vector<16xf32>
      %swap3A_428 = arith.index_cast %add3A_362 : i32 to index
      %swap3A_429 = arith.constant 32 : index
      %swap3A_430 = tpu.vector_load %arg7[%swap3A_428, %swap3A_429] {strides = array<i32>} : memref<128x64xf32, #tpu.memory_space<vmem>>, vector<1x16xf32>,
      %swap3A_431 = vector.shape_cast %swap3A_430 : vector<1x16xf32> to vector<16xf32>
      %swap3A_432 = vector.shape_cast %add3A_427 : vector<16xf32> to vector<1x16xf32>
      tpu.vector_store %arg7[%swap3A_428, %swap3A_429], %swap3A_432 {strides = array<i32>} : memref<128x64xf32, #tpu.memory_space<vmem>>, vector<1x16xf32>,
      %add3A_433 = arith.addf %scan3A_413#3, %scan3A_413#7 : vector<16xf32>
      %swap3A_434 = arith.index_cast %add3A_362 : i32 to index
      %swap3A_435 = arith.constant 48 : index
      %swap3A_436 = tpu.vector_load %arg7[%swap3A_434, %swap3A_435] {strides = array<i32>} : memref<128x64xf32, #tpu.memory_space<vmem>>, vector<1x16xf32>,
      %swap3A_437 = vector.shape_cast %swap3A_436 : vector<1x16xf32> to vector<16xf32>
      %swap3A_438 = vector.shape_cast %add3A_433 : vector<16xf32> to vector<1x16xf32>
      tpu.vector_store %arg7[%swap3A_434, %swap3A_435], %swap3A_438 {strides = array<i32>} : memref<128x64xf32, #tpu.memory_space<vmem>>, vector<1x16xf32>,
      %add3A_439 = arith.constant 4 : i32
      %add3A_440 = arith.addi %add3A_362, %add3A_439 : i32
      %lt3A_441 = arith.constant 128 : i32
      %lt3A_442 = arith.cmpi slt, %add3A_440, %lt3A_441 : i32
      %convert_element_type3A_443 = arith.extui %lt3A_442 : i1 to i32
      %cond3A_444 = arith.constant 0 : i32
      %cond3A_445 = arith.cmpi ne, %convert_element_type3A_443, %cond3A_444 : i32
      scf.if %cond3A_445 {
        %add3A_446 = arith.constant 4 : i32
        %add3A_447 = arith.addi %add3A_362, %add3A_446 : i32
        %dma_start3A_448 = arith.constant 3 : i32
        %dma_start3A_449 = arith.constant 0 : i32
        %dma_start3A_450 = arith.constant 0 : i32
        %dma_start3A_451 = tpu.memref_slice %arg6[%dma_start3A_448, %dma_start3A_449, %dma_start3A_450] : memref<4x200x64xf32, #tpu.memory_space<vmem>> -> memref<1x104x64xf32, #tpu.memory_space<vmem>>
        %dma_start3A_452 = tpu.memref_squeeze %dma_start3A_451 : memref<1x104x64xf32, #tpu.memory_space<vmem>> -> memref<104x64xf32, #tpu.memory_space<vmem>>
        %dma_start3A_453 = arith.constant 0 : i32
        %dma_start3A_454 = tpu.memref_slice %arg5[%add3A_447, %dma_start3A_453] : memref<128x200xi32, #tpu.memory_space<vmem>> -> memref<1x104xi32, #tpu.memory_space<vmem>>
        %dma_start3A_455 = tpu.memref_squeeze %dma_start3A_454 : memref<1x104xi32, #tpu.memory_space<vmem>> -> memref<104xi32, #tpu.memory_space<vmem>>
        %dma_start3A_456 = arith.constant 0 : i32
        %dma_start3A_457 = arith.constant 0 : i32
        %dma_start3A_458 = tpu.memref_slice %arg3[%dma_start3A_456, %dma_start3A_457] : memref<1000000x64xf32, #tpu.memory_space<hbm>> -> memref<1000000x64xf32, #tpu.memory_space<hbm>>
        tpu.enqueue_indirect_dma source(%dma_start3A_458 : memref<1000000x64xf32, #tpu.memory_space<hbm>>) target(%dma_start3A_452 : memref<104x64xf32, #tpu.memory_space<vmem>>) offsets(%dma_start3A_455 : memref<104xi32, #tpu.memory_space<vmem>>) semaphore(%arg11 : memref<!tpu.dma_semaphore, #tpu.memory_space<semaphore_mem>>)
        %dma_start3A_459 = arith.constant 3 : i32
        %dma_start3A_460 = arith.constant 104 : i32
        %dma_start3A_461 = arith.constant 0 : i32
        %dma_start3A_462 = tpu.memref_slice %arg6[%dma_start3A_459, %dma_start3A_460, %dma_start3A_461] : memref<4x200x64xf32, #tpu.memory_space<vmem>> -> memref<1x96x64xf32, #tpu.memory_space<vmem>>
        %dma_start3A_463 = tpu.memref_squeeze %dma_start3A_462 : memref<1x96x64xf32, #tpu.memory_space<vmem>> -> memref<96x64xf32, #tpu.memory_space<vmem>>
        %dma_start3A_464 = arith.constant 104 : i32
        %dma_start3A_465 = tpu.memref_slice %arg5[%add3A_447, %dma_start3A_464] : memref<128x200xi32, #tpu.memory_space<vmem>> -> memref<1x96xi32, #tpu.memory_space<vmem>>
        %dma_start3A_466 = tpu.memref_squeeze %dma_start3A_465 : memref<1x96xi32, #tpu.memory_space<vmem>> -> memref<96xi32, #tpu.memory_space<vmem>>
        %dma_start3A_467 = arith.constant 0 : i32
        %dma_start3A_468 = arith.constant 0 : i32
        %dma_start3A_469 = tpu.memref_slice %arg3[%dma_start3A_467, %dma_start3A_468] : memref<1000000x64xf32, #tpu.memory_space<hbm>> -> memref<1000000x64xf32, #tpu.memory_space<hbm>>
        tpu.enqueue_indirect_dma source(%dma_start3A_469 : memref<1000000x64xf32, #tpu.memory_space<hbm>>) target(%dma_start3A_463 : memref<96x64xf32, #tpu.memory_space<vmem>>) offsets(%dma_start3A_466 : memref<96xi32, #tpu.memory_space<vmem>>) semaphore(%arg11 : memref<!tpu.dma_semaphore, #tpu.memory_space<semaphore_mem>>)
      } else {
      }
    }
    %scan3A_102 = arith.constant 32 : i32
    "tpu.region"() ({
      %run_scoped3A = tpu.sem_alloc : memref<!tpu.dma_semaphore, #tpu.memory_space<semaphore_mem>>
      %dma_start3A_103 = arith.constant 0 : i32
      %dma_start3A_104 = tpu.memref_slice %arg4[%mul3A_2, %dma_start3A_103] : memref<4096x64xf32, #tpu.memory_space<hbm>> -> memref<128x64xf32, #tpu.memory_space<hbm>>
      %dma_start3A_105 = arith.constant 0 : i32
      %dma_start3A_106 = tpu.memref_slice %arg4[%mul3A_2, %dma_start3A_105] : memref<4096x64xf32, #tpu.memory_space<hbm>> -> memref<128x64xf32, #tpu.memory_space<hbm>>
      tpu.enqueue_dma source(%arg7 : memref<128x64xf32, #tpu.memory_space<vmem>>) target(%dma_start3A_106 : memref<128x64xf32, #tpu.memory_space<hbm>>) target_semaphore(%run_scoped3A : memref<!tpu.dma_semaphore, #tpu.memory_space<semaphore_mem>>)
      %dma_wait3A = arith.constant 0 : i32
      %dma_wait3A_107 = tpu.memref_slice %arg4[%mul3A_2, %dma_wait3A] : memref<4096x64xf32, #tpu.memory_space<hbm>> -> memref<128x64xf32, #tpu.memory_space<hbm>>
      %dma_wait3A_108 = arith.constant 0 : i32
      %dma_wait3A_109 = tpu.memref_slice %arg4[%mul3A_2, %dma_wait3A_108] : memref<4096x64xf32, #tpu.memory_space<hbm>> -> memref<128x64xf32, #tpu.memory_space<hbm>>
      tpu.wait_dma2 semaphore(%run_scoped3A : memref<!tpu.dma_semaphore, #tpu.memory_space<semaphore_mem>>) src(%arg7 : memref<128x64xf32, #tpu.memory_space<vmem>>) dst(%dma_wait3A_109 : memref<128x64xf32, #tpu.memory_space<hbm>>)
      tpu.yield
    }) : () -> ()
    return
  }
}

module attributes {stable_mosaic.version = 14 : i64} {
  func.func @_mlp_body(%arg0: i32, %arg1: memref<512x64xf32, #tpu.memory_space<vmem>>, %arg2: memref<64x256xf32, #tpu.memory_space<vmem>>, %arg3: memref<1x256xf32, #tpu.memory_space<vmem>>, %arg4: memref<256x2xf32, #tpu.memory_space<vmem>>, %arg5: memref<1x2xf32, #tpu.memory_space<vmem>>, %arg6: memref<512x2xf32, #tpu.memory_space<vmem>>) attributes {dimension_semantics = [#tpu.dimension_semantics<arbitrary>], iteration_bounds = array<i64: 8>, scalar_prefetch = 0 : i64, scratch_operands = 0 : i64, tpu.core_type = #tpu.core_type<tc>, window_params = [{transform_indices = @transform_0, window_bounds = array<i64: 512, 64>}, {pipeline_mode = #tpu.pipeline_mode<synchronous>, transform_indices = @transform_1, window_bounds = array<i64: 64, 256>}, {pipeline_mode = #tpu.pipeline_mode<synchronous>, transform_indices = @transform_2, window_bounds = array<i64: 1, 256>}, {pipeline_mode = #tpu.pipeline_mode<synchronous>, transform_indices = @transform_3, window_bounds = array<i64: 256, 2>}, {pipeline_mode = #tpu.pipeline_mode<synchronous>, transform_indices = @transform_4, window_bounds = array<i64: 1, 2>}, {transform_indices = @transform_5, window_bounds = array<i64: 512, 2>}]} {
    %get3A = arith.constant 0 : index
    %get3A_0 = arith.constant 0 : index
    %get3A_1 = vector.load %arg1[%get3A, %get3A_0] : memref<512x64xf32, #tpu.memory_space<vmem>>, vector<512x64xf32>
    %mul3A = arith.constant 5.000000e-03 : f32
    %mul3A_2 = vector.broadcast %mul3A : f32 to vector<512x64xf32>
    %mul3A_3 = arith.mulf %get3A_1, %mul3A_2 : vector<512x64xf32>
    %get3A_4 = arith.constant 0 : index
    %get3A_5 = arith.constant 0 : index
    %get3A_6 = vector.load %arg2[%get3A_4, %get3A_5] : memref<64x256xf32, #tpu.memory_space<vmem>>, vector<64x256xf32>
    %dot_general3A = arith.constant dense<0.000000e+00> : vector<512x256xf32>
    %dot_general3A_7 = tpu.matmul %mul3A_3, %get3A_6, %dot_general3A {dimension_numbers = #tpu.dot_dimension_numbers<[1], [0], [0], [1], [0, 0, 1, 1], [], []>, transpose_lhs_hint = false} : vector<512x64xf32>, vector<64x256xf32>, vector<512x256xf32> -> vector<512x256xf32>
    %get3A_8 = arith.constant 0 : index
    %get3A_9 = arith.constant 0 : index
    %get3A_10 = vector.load %arg3[%get3A_8, %get3A_9] : memref<1x256xf32, #tpu.memory_space<vmem>>, vector<1x256xf32>
    %add3A = vector.broadcast %get3A_10 : vector<1x256xf32> to vector<512x256xf32>
    %add3A_11 = arith.addf %dot_general3A_7, %add3A : vector<512x256xf32>
    %max3A = arith.constant 0.000000e+00 : f32
    %max3A_12 = vector.broadcast %max3A : f32 to vector<512x256xf32>
    %max3A_13 = arith.maximumf %add3A_11, %max3A_12 : vector<512x256xf32>
    %get3A_14 = arith.constant 0 : index
    %get3A_15 = arith.constant 0 : index
    %get3A_16 = vector.load %arg4[%get3A_14, %get3A_15] : memref<256x2xf32, #tpu.memory_space<vmem>>, vector<256x2xf32>
    %dot_general3A_17 = arith.constant dense<0.000000e+00> : vector<512x2xf32>
    %dot_general3A_18 = tpu.matmul %max3A_13, %get3A_16, %dot_general3A_17 {dimension_numbers = #tpu.dot_dimension_numbers<[1], [0], [0], [1], [0, 0, 1, 1], [], []>, transpose_lhs_hint = false} : vector<512x256xf32>, vector<256x2xf32>, vector<512x2xf32> -> vector<512x2xf32>
    %get3A_19 = arith.constant 0 : index
    %get3A_20 = arith.constant 0 : index
    %get3A_21 = vector.load %arg5[%get3A_19, %get3A_20] : memref<1x2xf32, #tpu.memory_space<vmem>>, vector<1x2xf32>
    %add3A_22 = vector.broadcast %get3A_21 : vector<1x2xf32> to vector<512x2xf32>
    %add3A_23 = arith.addf %dot_general3A_18, %add3A_22 : vector<512x2xf32>
    %reduce_max3A = arith.constant dense<0xFF800000> : vector<512xf32>
    %reduce_max3A_24 = vector.multi_reduction <maximumf>, %add3A_23, %reduce_max3A [1] : vector<512x2xf32> to vector<512xf32>
    %broadcast_in_dim3A = vector.shape_cast %reduce_max3A_24 : vector<512xf32> to vector<512x1xf32>
    %sub3A = vector.broadcast %broadcast_in_dim3A : vector<512x1xf32> to vector<512x2xf32>
    %sub3A_25 = arith.subf %add3A_23, %sub3A : vector<512x2xf32>
    %exp3A = math.exp %sub3A_25 : vector<512x2xf32>
    %reduce_sum3A = arith.constant dense<0.000000e+00> : vector<512xf32>
    %reduce_sum3A_26 = vector.multi_reduction <add>, %exp3A, %reduce_sum3A [1] : vector<512x2xf32> to vector<512xf32>
    %broadcast_in_dim3A_27 = vector.shape_cast %reduce_sum3A_26 : vector<512xf32> to vector<512x1xf32>
    %log3A = math.log %broadcast_in_dim3A_27 : vector<512x1xf32>
    %sub3A_28 = vector.broadcast %log3A : vector<512x1xf32> to vector<512x2xf32>
    %sub3A_29 = arith.subf %sub3A_25, %sub3A_28 : vector<512x2xf32>
    %swap3A = arith.constant 0 : index
    %swap3A_30 = arith.constant 0 : index
    %swap3A_31 = vector.load %arg6[%swap3A, %swap3A_30] : memref<512x2xf32, #tpu.memory_space<vmem>>, vector<512x2xf32>
    tpu.vector_store %arg6[%swap3A, %swap3A_30], %sub3A_29 {strides = array<i32>} : memref<512x2xf32, #tpu.memory_space<vmem>>, vector<512x2xf32>,
    return
  }
  func.func @transform_0(%arg0: i32) -> (i32, i32) {
    %c0_i32 = arith.constant 0 : i32
    %c0_i32_0 = arith.constant 0 : i32
    return %arg0, %c0_i32 : i32, i32
  }
  func.func @transform_1(%arg0: i32) -> (i32, i32) {
    %c0_i32 = arith.constant 0 : i32
    %c0_i32_0 = arith.constant 0 : i32
    %c0_i32_1 = arith.constant 0 : i32
    return %c0_i32, %c0_i32_0 : i32, i32
  }
  func.func @transform_2(%arg0: i32) -> (i32, i32) {
    %c0_i32 = arith.constant 0 : i32
    %c0_i32_0 = arith.constant 0 : i32
    %c0_i32_1 = arith.constant 0 : i32
    return %c0_i32, %c0_i32_0 : i32, i32
  }
  func.func @transform_3(%arg0: i32) -> (i32, i32) {
    %c0_i32 = arith.constant 0 : i32
    %c0_i32_0 = arith.constant 0 : i32
    %c0_i32_1 = arith.constant 0 : i32
    return %c0_i32, %c0_i32_0 : i32, i32
  }
  func.func @transform_4(%arg0: i32) -> (i32, i32) {
    %c0_i32 = arith.constant 0 : i32
    %c0_i32_0 = arith.constant 0 : i32
    %c0_i32_1 = arith.constant 0 : i32
    return %c0_i32, %c0_i32_0 : i32, i32
  }
  func.func @transform_5(%arg0: i32) -> (i32, i32) {
    %c0_i32 = arith.constant 0 : i32
    %c0_i32_0 = arith.constant 0 : i32
    return %arg0, %c0_i32 : i32, i32
  }
}

</mosaic_0001>

<sc_bundles>
// kernel: kernel.4.cloned.1.call-start
scs
__scs_entry_jumppad:
0x0: {  	(pc) =	sbr.rel $0x88, $3  }
0x1: {  	(tag) =	ssettag $0x0;
	lr =	simm.s32 $0x1  }
0x2: {  	[smem:$0x3F9B] =	sst lr;
	_ =	strace $0xD0000000  }
0x3: {  	_ = 	snop  }
0x4: {  	_ = 	snop  }
0x5: {  	_ = 	snop  }
0x6: {  	_ = 	snop  }
0x7: {  	_ = 	snop  }
__scs_overlays_trampoline_lowered:
0x8: {  	[smem:$0x3FAA] =	sst s0  }
0x9: {  	[smem:$0x3FAB] =	sst s1  }
0xa: {  	[smem:$0x3FAC] =	sst s2  }
0xb: {  	[smem:$0x3FAD] =	sst s3  }
0xc: {  	[smem:$0x3FAE] =	sst s4  }
0xd: {  	[smem:$0x3FAF] =	sst s5  }
0xe: {  	[smem:$0x3FB0] =	sst s6  }
0xf: {  	[smem:$0x3FB1] =	sst s7  }
0x10: {  	[smem:$0x3FB2] =	sst s8  }
0x11: {  	[smem:$0x3FB3] =	sst s9;
	s0 =	simm.s32 @!p0 $0x0  }
0x12: {  	s1 =	sld [smem:$0x3F99];
	s0 =	simm.s32 @p0 $0x1  }
0x13: {  	[smem:$0x3FB4] =	sst s0;
	s0 =	simm.s32 @!p1 $0x0  }
0x14: {  	s2 =	sld [smem:$0x3F98];
	s0 =	simm.s32 @p1 $0x1  }
0x15: {  	[smem:$0x3FB5] =	sst s0;
	s0 =	simm.s32 @!p2 $0x0  }
0x16: {  	s3 =	sld [smem:$0x3FDB];
	s0 =	simm.s32 @p2 $0x1  }
0x17: {  	s4 =	simm.s32 $0x1BF5;
	[smem:$0x3FB7] =	sst s0  }
0x18: {  	s0 =	sld [smem:$0x3F9A];
	_ =	swait.ge [sflag:s4], $0x0  }
0x19: {  	s7 =	sld [smem:$0x3F9B]  }
0x1a: {  	s8 =	sadd.s32 $0xFFFFE003, lr  }
0x1b: {  	s9 =	sadd.s32 $0xFFFFFEF7, lr;
	s5 =	simm.s32 $0xFFFFFFFF;
	p2 =	slt.u32 s8, $0xFFFFF086  }
0x1c: {  	p1 =	slt.u32 s9, $0xF7A;
	s5 =	simm.s32 @!p2 $0x0  }
0x1d: {  	s5 =	simm.s32 @p1 $0x1;
	p0 =	seq.s32 s7, s2  }
0x1e: {  	s7 =	smul.u32 @!p0 $0xF7A, s2;
	p2 =	seq.s32 @!p0 s5, $0x0  }
0x1f: {  	s9 =	smul.u32 $0xF7A, s1;
	s8 =	simm.s32 @!p0 $0x1BF5;
	p2 =	por !p2, p0  }
0x20: {  	[sflag:s8] =	ssyncset.s32 @!p0 $0xFFFFF086;
	s6 =	sadd.s32 @!p0 s3, s7;
	s7 =	simm.s32 @!p0 $0x108  }
0x21: {  	s3 =	sadd.s32 s3, s9;
	s6 =	sadd.s32 @!p0 $0x88, s6;
	s7 =	simm.s32 @p2 $0x1082  }
0x22: {  	[simem:s7], [sflag:s8] =	dma.local @!p0 [hbm:s6], $0xF7A  }
0x23: {  	s9 =	sor.u32 $0xD0000000, s2;
	s6 =	simm.s32 $0x108;
	_ =	swait.ge @!p0 [sflag:s8], $0x0  }
0x24: {  	s3 =	sadd.s32 $0x88, s3;
	s6 =	simm.s32 @!p1 $0x1082;
	[sflag:s4] =	ssyncset.s32 $0xFFFFF086  }
0x25: {  	[simem:s6], [sflag:s4] =	dma.local [hbm:s3], $0xF7A  }
0x26: {  	[smem:$0x3F9B] =	sst s1;
	(tag) =	ssettag s2;
	_ =	strace s9  }
0x27: {  	s1 =	sld [smem:$0x3FAB]  }
0x28: {  	s2 =	sld [smem:$0x3FAC]  }
0x29: {  	s4 =	sld [smem:$0x3FAE]  }
0x2a: {  	p0 =	seq.s32 s5, $0x0;
	s5 =	sld [smem:$0x3FAF]  }
0x2b: {  	s6 =	sld [smem:$0x3FB0]  }
0x2c: {  	s7 =	sld [smem:$0x3FB1]  }
0x2d: {  	s3 =	simm.s32 $0x108;
	s8 =	sld [smem:$0x3FB2]  }
0x2e: {  	s3 =	simm.s32 @!p0 $0x1082;
	s9 =	sld [smem:$0x3FB3]  }
0x2f: {  	lr =	sadd.s32 s0, s3;
	s0 =	sld [smem:$0x3FAA]  }
0x30: {  	s3 =	sld [smem:$0x3FAD]  }
0x31: {  	[smem:$0x3FB6] =	sst s10  }
0x32: {  	s10 =	sld [smem:$0x3FB4];
	_ =	sdelay $0x3  }
0x33: {  	p0 =	seq.s32 s10, $0x1;
	s10 =	sld [smem:$0x3FB6];
	_ =	sdelay $0x3  }
0x34: {  	[smem:$0x3FB6] =	sst s10  }
0x35: {  	s10 =	sld [smem:$0x3FB5];
	_ =	sdelay $0x3  }
0x36: {  	p1 =	seq.s32 s10, $0x1;
	s10 =	sld [smem:$0x3FB6];
	_ =	sdelay $0x3  }
0x37: {  	[smem:$0x3FB6] =	sst s10  }
0x38: {  	s10 =	sld [smem:$0x3FB7]  }
0x39: {  	_ = 	snop;
	(pc) =	sbr.ind lr, $3  }
0x3a: {  	_ = 	snop  }
0x3b: {  	_ = 	snop  }
0x3c: {  	p2 =	seq.s32 s10, $0x1;
	s10 =	sld [smem:$0x3FB6]  }
0x3d: {  	_ =	shalt  }
0x3e: {  	_ =	shalt  }
0x3f: {  	_ =	shalt  }
0x40: {  	_ =	shalt  }
0x41: {  	_ =	shalt  }
0x42: {  	_ =	shalt  }
0x43: {  	_ =	shalt  }
0x44: {  	_ =	shalt  }
0x45: {  	_ =	shalt  }
0x46: {  	_ =	shalt  }
0x47: {  	_ =	shalt  }
0x48: {  	_ =	shalt  }
0x49: {  	_ =	shalt  }
0x4a: {  	_ =	shalt  }
0x4b: {  	_ =	shalt  }
0x4c: {  	_ =	shalt  }
0x4d: {  	_ =	shalt  }
0x4e: {  	_ =	shalt  }
0x4f: {  	_ =	shalt  }
0x50: {  	_ =	shalt  }
0x51: {  	_ =	shalt  }
0x52: {  	_ =	shalt  }
0x53: {  	_ =	shalt  }
0x54: {  	_ =	shalt  }
0x55: {  	_ =	shalt  }
0x56: {  	_ =	shalt  }
0x57: {  	_ =	shalt  }
0x58: {  	_ =	shalt  }
0x59: {  	_ =	shalt  }
0x5a: {  	_ =	shalt  }
0x5b: {  	_ =	shalt  }
0x5c: {  	_ =	shalt  }
0x5d: {  	_ =	shalt  }
0x5e: {  	_ =	shalt  }
0x5f: {  	_ =	shalt  }
0x60: {  	_ =	shalt  }
0x61: {  	_ =	shalt  }
0x62: {  	_ =	shalt  }
0x63: {  	_ =	shalt  }
0x64: {  	_ =	shalt  }
0x65: {  	_ =	shalt  }
0x66: {  	_ =	shalt  }
0x67: {  	_ =	shalt  }
0x68: {  	_ =	shalt  }
0x69: {  	_ =	shalt  }
0x6a: {  	_ =	shalt  }
0x6b: {  	_ =	shalt  }
0x6c: {  	_ =	shalt  }
0x6d: {  	_ =	shalt  }
0x6e: {  	_ =	shalt  }
0x6f: {  	_ =	shalt  }
0x70: {  	_ =	shalt  }
0x71: {  	_ =	shalt  }
0x72: {  	_ =	shalt  }
0x73: {  	_ =	shalt  }
0x74: {  	_ =	shalt  }
0x75: {  	_ =	shalt  }
0x76: {  	_ =	shalt  }
0x77: {  	_ =	shalt  }
0x78: {  	_ =	shalt  }
0x79: {  	_ =	shalt  }
0x7a: {  	_ =	shalt  }
0x7b: {  	_ =	shalt  }
0x7c: {  	_ =	shalt  }
0x7d: {  	_ =	shalt  }
0x7e: {  	_ =	shalt  }
0x7f: {  	_ =	shalt  }
0x80: {  	_ =	shalt  }
0x81: {  	_ =	shalt  }
0x82: {  	_ =	shalt  }
0x83: {  	_ =	shalt  }
0x84: {  	_ =	shalt  }
0x85: {  	_ =	shalt  }
0x86: {  	_ =	shalt  }
0x87: {  	_ =	shalt  }
.Lfunc_end0:
.L_simem_size_0:
called_computation_lowered:
.L_overlay_start_0:
0x88: {  	s2 =	sld [smem:$0x3FD9]  }
0x89: {  	s3 =	sld [smem:$0x3FFE];
	_ =	sdelay $0x1  }
0x8a: {  	s1 =	srdreg.scid  }
0x8b: {  	s0 =	sand.u32 $0x1, s1  }
0x8c: {  	s16 =	sshll.u32 s0, $0xA;
	s2 =	sadd.s32 s3, s2  }
0x8d: {  	s2 =	sadd.s32 s2, s16  }
0x8e: {  	[smem:$0x3FC2] =	sst s2  }
0x8f: {  	_ = 	snop  }
0x90: {  	(tm) =	ssettm $0x1  }
0x91: {  	s17 =	sld [smem:$0x3FFB];
	_ =	sdelay $0x3  }
0x92: {  	_ =	strace s17  }
0x93: {  	s2 =	sld [smem:$0x3FFC];
	_ =	sdelay $0x3  }
0x94: {  	_ =	strace s2  }
0x95: {  	s2 =	sld [smem:$0x3FFD];
	_ =	sdelay $0x3  }
0x96: {  	_ =	strace s2  }
0x97: {  	_ =	strace $0x8FFFFFFF  }
0x98: {  	s18 =	sld [smem:$0x3FDB];
	_ =	sdelay $0x1  }
0x99: {  	s19 =	simm.s32 $_scs_section_size  }
0x9a: {  	s4 =	simm.s32 $_size__tile_overlayer_lowered;
	s5 =	simm.s32 $_tile_overlayer_lowered  }
0x9b: {  	s22 =	simm.s32 $0x1BFF;
	s21 =	sshll.u32 s5, $0x1;
	s2 =	sadd.s32 s19, s18  }
0x9c: {  	s6 =	simm.s32 $0x0;
	s20 =	sshll.u32 s4, $0x1;
	s4 =	sadd.s32 s21, s2  }
0x9d: {  	[timem:s6], [sflag:s22] =	dma.local [hbm:s4], s20  }
0x9e: {  	_ =	swait.ge [sflag:s22], s20  }
0x9f: {  	s3 =	ssub.s32 $0x0, s20;
	[sflag:s22] =	ssyncset.done $0x0  }
0xa0: {  	[sflag:s22] =	ssyncadd.s32 s3;
	_ =	sdelay $0x1  }
0xa1: {  	s23 =	simm.s32 $0x1B8B  }
0xa2: {  	_ =	swait.ge [sflag:s23], $0x1  }
0xa3: {  	[sflag:s23] =	ssyncset.done $0x0  }
0xa4: {  	s25 =	simm.s32 $0x1B8E;
	s24 =	sld [smem:$0x3FFE];
	[sflag:s23] =	ssyncadd.s32 $0xFFFFFFFF  }
0xa5: {  	s26 =	simm.s32 $execute0_lowered;
	[smem:$0x3FD2] =	sst s25  }
0xa6: {  	s4 =	sshll.u32 s26, $0x1;
	_ =	strace $0x80000046;
	[dreg:$0x1] =	wrdreg $0xFFFFFFFF  }
0xa7: {  	s28 =	simm.s32 $_size_execute0_lowered;
	s2 =	sadd.s32 s2, s4;
	[dreg:$0x0] =	wrdreg $0x0  }
0xa8: {  	s4 =	sshll.u32 s28, $0x1;
	[dreg:$0x2] =	wrdreg s2  }
0xa9: {  	[dreg:$0x3] =	wrdreg s4  }
0xaa: {  	[dreg:$0x4] =	wrdreg $0xC0  }
0xab: {  	_ =	task [dreg:s6], $0x5FFFF  }
0xac: {  	[dreg:$0x1] =	wrdreg $0xFFFFFFFF  }
0xad: {  	[dreg:$0x0] =	wrdreg $0x60  }
0xae: {  	[dreg:$0x2] =	wrdreg s24  }
0xaf: {  	[dreg:$0x3] =	wrdreg $0x9  }
0xb0: {  	_ =	task.clear_ibuf [dreg:s6], $0x4FFFF;
	_ =	strace $0x90000046  }
0xb1: {  	s29 =	simm.s32 $0x9;
	_ =	strace $0x80000048  }
0xb2: {  	_ =	swait.ge [sflag:s29], $0x1  }
0xb3: {  	[sflag:s29] =	ssyncadd.s32 $0xFFFFFFFF  }
0xb4: {  	_ =	strace $0x90000048  }
0xb5: {  	_ =	sfence  }
0xb6: {  	s30 =	sld [smem:$0x0];
	_ =	sdelay $0x2  }
0xb7: {  	s31 =	sshll.u32 s1, $0xD;
	s1 =	sshrl.u32 s1, $0x2  }
0xb8: {  	s3 =	sand.u32 $0x4000, s31;
	s1 =	sadd.s32 s1, s30  }
0xb9: {  	s0 =	sor.u32 s3, s0;
	s1 =	sshll.u32 s1, $0x11  }
0xba: {  	s0 =	sor.u32 s1, s0  }
0xbb: {  	s0 =	sadd.s32 $0x8F2B, s0  }
0xbc: {  	[sflag:s0] =	ssyncadd.remote.s32 $0x1  }
0xbd: {  	_ =	sfence.sel $0xFFFF  }
0xbe: {  	[dreg:$0x0] =	wrdreg $0xFFFFFFFF;
	(pc) =	sbr.abs _section_cstart, $3  }
0xbf: {  	[dreg:$0x1] =	wrdreg $0xFFFFFFFF  }
0xc0: {  	_ =	task.clear_ibuf [dreg:s6], $0x2FFFF;
	_ =	strace $0x9FFFFFFF  }
0xc1: {  	(tm) =	ssettm $0x7FFFFFFF  }
tec
execute0_lowered:
.L_overlay_start_1:
0x0: {  	(tag) =	ssettag $0x1  }
0x1: {  	s0 =	srdreg.scid  }
0x2: {  	s2 =	stileid.u32;
	s1 =	rddreg [dreg:$0x0]  }
0x3: {  	s7 =	simm.s32 $0x5;
	s8 =	simm.s32 $0x68;
	s10 =	simm.s32 $0x60  }
0x4: {  	s13 =	simm.s32 $0x9600;
	s14 =	simm.s32 $0x130;
	s15 =	simm.s32 $0xB000  }
0x5: {  	s16 =	simm.s32 $0x190;
	s17 =	simm.s32 $0xC800;
	s18 =	simm.s32 $0x1F8  }
0x6: {  	s19 =	simm.s32 $0xE200;
	s20 =	simm.s32 $0x258;
	s21 =	simm.s32 $0xFA00  }
0x7: {  	s22 =	simm.s32 $0x2C0;
	s23 =	simm.s32 $0x11400;
	s24 =	simm.s32 $0x1  }
0x8: {  	s25 =	simm.s32 $0x2;
	s26 =	simm.s32 $0x3;
	s28 =	simm.s32 $0x4  }
0x9: {  	s29 =	simm.s32 $0x12C00;
	s30 =	simm.s32 $0x0;
	s0 =	sand.u32 $0x1, s0  }
0xa: {  	s3 =	sshll.u32 s2, $0x8;
	s2 =	simm.s32 $0x0;
	s4 =	sshll.u32 s0, $0x7  }
.Ltmp0:
0xb: {  	[smem:$0x7FF] =	sst s2;
	s3 =	sor.u32 s4, s3;
	(pc) =	sbr.rel .LBB2_1-.Ltmp0, $4  }
0xc: {  	s0 =	ssub.s32 $0x2, s0;
	_ =	strace $0x80000047;
	s4 =	smul.u32 $0x19, s3  }
0xd: {  	s31 =	sshrl.u32 s0, $0x1;
	s5 =	sshll.u32 s3, $0x3;
	s3 =	sadd.s32 $0xF43200, s1  }
0xe: {  	s0 =	ssub.s32 s0, s31;
	s4 =	sadd.s32 s4, s1;
	s1 =	sadd.s32 s5, s1  }
0xf: {  	s6 =	smax.u32 s0, $0x1;
	s4 =	sadd.s32 $0xE00, s4;
	s5 =	sadd.s32 $0x19E00, s1  }
.LBB2_12:
0x10: {  	s30 =	sadd.s32 $0x1, s30  }
0x11: {  	p0 =	sne.s32 s30, s6  }
.Ltmp1:
0x12: {  	_ = 	snop;
	(pc) =	sbr.rel @!p0 .LBB2_13-.Ltmp1, $4  }
0x13: {  	[hbm4b:s5+s2] =	stream.linear.scatter [tilespmem:s29], [sflag:$0x5], $0x2000, $0x38;
	[tilespmem:$0x14C00] =	vst v63  }
0x14: {  	_ =	swait.ge [sflag:s7], $0x2000  }
0x15: {  	[sflag:s7] =	ssyncset.done $0x0  }
0x16: {  	[sflag:s7] =	ssyncadd.s32 $0xFFFFE000  }
.LBB2_1:
0x17: {  	[tilespmem:s2], [sflag:$0x5] =	stream.linear.gather [hbm4b:s4+s2], $0x6400, $0x38;
	[tilespmem:$0x14C00] =	vst v63  }
0x18: {  	_ =	swait.ge [sflag:s7], $0x6400  }
0x19: {  	[sflag:s7] =	ssyncset.done $0x0  }
0x1a: {  	s0 =	simm.s32 $0x6400;
	[sflag:s7] =	ssyncadd.s32 $0xFFFF9C00  }
0x1b: {  	[tilespmem:s0], [sflag:$0x1] =	stream.indirect.gather [hbm4b:s3+s8], $0x40, s2, s8, $0xb8;
	[tilespmem:$0x14C00] =	vst v63  }
0x1c: {  	s11 =	simm.s32 $0x7E00  }
0x1d: {  	[tilespmem:s11], [sflag:$0x1] =	stream.indirect.gather [hbm4b:s3+s10], $0x40, s8, s10, $0xb8;
	[tilespmem:$0x14C00] =	vst v63  }
0x1e: {  	s12 =	simm.s32 $0xC8  }
0x1f: {  	[tilespmem:s13], [sflag:$0x2] =	stream.indirect.gather [hbm4b:s3+s8], $0x40, s12, s8, $0xb8;
	[tilespmem:$0x14C00] =	vst v63  }
0x20: {  	_ = 	snop  }
0x21: {  	[tilespmem:s15], [sflag:$0x2] =	stream.indirect.gather [hbm4b:s3+s10], $0x40, s14, s10, $0xb8;
	[tilespmem:$0x14C00] =	vst v63  }
0x22: {  	_ = 	snop  }
0x23: {  	[tilespmem:s17], [sflag:$0x3] =	stream.indirect.gather [hbm4b:s3+s8], $0x40, s16, s8, $0xb8;
	[tilespmem:$0x14C00] =	vst v63  }
0x24: {  	_ = 	snop  }
0x25: {  	[tilespmem:s19], [sflag:$0x3] =	stream.indirect.gather [hbm4b:s3+s10], $0x40, s18, s10, $0xb8;
	[tilespmem:$0x14C00] =	vst v63  }
0x26: {  	_ = 	snop  }
0x27: {  	[tilespmem:s21], [sflag:$0x4] =	stream.indirect.gather [hbm4b:s3+s8], $0x40, s20, s8, $0xb8;
	[tilespmem:$0x14C00] =	vst v63  }
0x28: {  	s31 =	simm.s32 $0x0  }
0x29: {  	[tilespmem:s23], [sflag:$0x4] =	stream.indirect.gather [hbm4b:s3+s10], $0x40, s22, s10, $0xb8;
	[tilespmem:$0x14C00] =	vst v63  }
.LBB2_2:
0x2a: {  	_ =	swait.ge [sflag:s24], $0x1A00  }
0x2b: {  	[sflag:s24] =	ssyncset.done $0x0  }
0x2c: {  	[sflag:s24] =	ssyncadd.s32 $0xFFFFE600  }
0x2d: {  	_ =	swait.ge [sflag:s24], $0x1800  }
0x2e: {  	[sflag:s24] =	ssyncset.done $0x0  }
0x2f: {  	s0 =	simm.s32 $0x0;
	[sflag:s24] =	ssyncadd.s32 $0xFFFFE800  }
0x30: {  	v3 =	vld [tilespmem:s0+$0x6580]  }
0x31: {  	v4 =	vld [tilespmem:s0+$0x6590]  }
0x32: {  	v5 =	vld [tilespmem:s0+$0x65A0]  }
0x33: {  	v6 =	vld [tilespmem:s0+$0x65B0]  }
0x34: {  	v0 =	vld [tilespmem:s0+$0x65C0]  }
0x35: {  	v1 =	vld [tilespmem:s0+$0x65D0]  }
0x36: {  	v13 =	vld [tilespmem:s0+$0x6500]  }
0x37: {  	v15 =	vld [tilespmem:s0+$0x6510]  }
0x38: {  	v12 =	vld [tilespmem:s0+$0x6520]  }
0x39: {  	v14 =	vld [tilespmem:s0+$0x6530]  }
0x3a: {  	v2 =	vld [tilespmem:s0+$0x6540]  }
0x3b: {  	v9 =	vld [tilespmem:s0+$0x6480]  }
0x3c: {  	v10 =	vld [tilespmem:s0+$0x6490]  }
0x3d: {  	v11 =	vld [tilespmem:s0+$0x6400]  }
0x3e: {  	v17 =	vld [tilespmem:s0+$0x6410]  }
0x3f: {  	v18 =	vld [tilespmem:s0+$0x6420]  }
0x40: {  	v19 =	vld [tilespmem:s0+$0x6430]  }
0x41: {  	v20 =	vld [tilespmem:s0+$0x64A0]  }
0x42: {  	v24 =	vld [tilespmem:s0+$0x64B0]  }
0x43: {  	v8 =	vimm.f32 $0.0e+00;
	v7 =	vld [tilespmem:s0+$0x6550]  }
0x44: {  	v16 =	vld [tilespmem:s0+$0x64C0];
	v11 =	vadd.f32 v11, v8;
	v22 =	vadd.f32 v17, v8  }
0x45: {  	v17 =	vld [tilespmem:s0+$0x64D0];
	v23 =	vadd.f32 v18, v8;
	v25 =	vadd.f32 v19, v8  }
0x46: {  	v18 =	vld [tilespmem:s0+$0x6440];
	v21 =	vadd.f32 v9, v11;
	v22 =	vadd.f32 v10, v22  }
0x47: {  	v19 =	vld [tilespmem:s0+$0x6450];
	v23 =	vadd.f32 v20, v23;
	v24 =	vadd.f32 v24, v25  }
0x48: {  	s1 =	simm.s32 $0x800;
	v20 =	vld [tilespmem:s0+$0x6460];
	v11 =	vimm.f32 $0.0e+00;
	v10 =	vimm.f32 $0.0e+00;
	v9 =	vimm.f32 $0.0e+00  }
.LBB2_3:
0x49: {  	p0 =	sne.s32 s1, $0xC000;
	v25 =	vld [tilespmem:s0+$0x6470];
	v13 =	vadd.f32 v13, v21;
	v15 =	vadd.f32 v15, v22  }
0x4a: {  	v21 =	vld [tilespmem:s0+$0x64E0];
	v12 =	vadd.f32 v12, v23;
	v14 =	vadd.f32 v14, v24  }
0x4b: {  	v22 =	vld [tilespmem:s0+$0x64F0];
	v23 =	vadd.f32 v3, v13;
	v24 =	vadd.f32 v4, v15  }
0x4c: {  	v13 =	vld [tilespmem:s0+$0x6560];
	v26 =	vadd.f32 v5, v12;
	v27 =	vadd.f32 v6, v14  }
0x4d: {  	v3 =	vadd.f32 v18, v8;
	v4 =	vadd.f32 v19, v11;
	v6 =	vld [tilespmem:s0+$0x6570]  }
0x4e: {  	v5 =	vadd.f32 v20, v10;
	v8 =	vadd.f32 v25, v9;
	v9 =	vld [tilespmem:s0+$0x65E0]  }
0x4f: {  	v10 =	vadd.f32 v16, v3;
	v11 =	vadd.f32 v17, v4;
	v12 =	vld [tilespmem:s0+$0x65F0];
	s0 =	sshra.s32 s1, $0x2  }
0x50: {  	v14 =	vadd.f32 v21, v5;
	v3 =	vld [tilespmem:s0+$0x6580];
	v8 =	vadd.f32 v22, v8  }
0x51: {  	v2 =	vadd.f32 v2, v10;
	v7 =	vadd.f32 v7, v11;
	v4 =	vld [tilespmem:s0+$0x6590]  }
0x52: {  	v10 =	vadd.f32 v13, v14;
	v5 =	vld [tilespmem:s0+$0x65A0];
	v13 =	vadd.f32 v6, v8  }
0x53: {  	v8 =	vadd.f32 v0, v2;
	v11 =	vadd.f32 v1, v7;
	v6 =	vld [tilespmem:s0+$0x65B0]  }
0x54: {  	v10 =	vadd.f32 v9, v10;
	v0 =	vld [tilespmem:s0+$0x65C0];
	v9 =	vadd.f32 v12, v13  }
0x55: {  	v1 =	vld [tilespmem:s0+$0x65D0]  }
0x56: {  	v13 =	vld [tilespmem:s0+$0x6500]  }
0x57: {  	v15 =	vld [tilespmem:s0+$0x6510]  }
0x58: {  	v12 =	vld [tilespmem:s0+$0x6520]  }
0x59: {  	v14 =	vld [tilespmem:s0+$0x6530]  }
0x5a: {  	v2 =	vld [tilespmem:s0+$0x6540]  }
0x5b: {  	v7 =	vld [tilespmem:s0+$0x6550]  }
0x5c: {  	v20 =	vld [tilespmem:s0+$0x6480]  }
0x5d: {  	v22 =	vld [tilespmem:s0+$0x6490]  }
0x5e: {  	v17 =	vld [tilespmem:s0+$0x6400]  }
0x5f: {  	v18 =	vld [tilespmem:s0+$0x6410]  }
0x60: {  	v19 =	vld [tilespmem:s0+$0x6420]  }
0x61: {  	v21 =	vld [tilespmem:s0+$0x6430]  }
0x62: {  	v25 =	vld [tilespmem:s0+$0x64A0]  }
0x63: {  	v28 =	vld [tilespmem:s0+$0x64B0]  }
.Ltmp2:
0x64: {  	v16 =	vld [tilespmem:s0+$0x64C0];
	(pc) =	sbr.rel @p0 .LBB2_3-.Ltmp2, $4  }
0x65: {  	v23 =	vadd.f32 v17, v23;
	v24 =	vadd.f32 v18, v24;
	v17 =	vld [tilespmem:s0+$0x64D0]  }
0x66: {  	v26 =	vadd.f32 v19, v26;
	v27 =	vadd.f32 v21, v27;
	v18 =	vld [tilespmem:s0+$0x6440]  }
0x67: {  	v21 =	vadd.f32 v20, v23;
	v22 =	vadd.f32 v22, v24;
	v19 =	vld [tilespmem:s0+$0x6450]  }
0x68: {  	s1 =	sadd.s32 $0x800, s1;
	v23 =	vadd.f32 v25, v26;
	v20 =	vld [tilespmem:s0+$0x6460];
	v24 =	vadd.f32 v28, v27  }
0x69: {  	v13 =	vadd.f32 v13, v21;
	v15 =	vadd.f32 v15, v22  }
0x6a: {  	v21 =	vld [tilespmem:s0+$0x6470];
	v12 =	vadd.f32 v12, v23;
	v14 =	vadd.f32 v14, v24  }
0x6b: {  	v22 =	vld [tilespmem:s0+$0x64E0];
	v3 =	vadd.f32 v3, v13;
	v4 =	vadd.f32 v4, v15  }
0x6c: {  	v13 =	vld [tilespmem:s0+$0x64F0];
	v8 =	vadd.f32 v18, v8;
	v5 =	vadd.f32 v5, v12  }
0x6d: {  	v12 =	vld [tilespmem:s0+$0x6560];
	v6 =	vadd.f32 v6, v14;
	v11 =	vadd.f32 v19, v11  }
0x6e: {  	v14 =	vld [tilespmem:s0+$0x6570];
	v10 =	vadd.f32 v20, v10;
	v8 =	vadd.f32 v16, v8  }
0x6f: {  	v15 =	vld [tilespmem:s0+$0x65E0];
	v9 =	vadd.f32 v21, v9;
	v11 =	vadd.f32 v17, v11  }
0x70: {  	v16 =	vld [tilespmem:s0+$0x65F0];
	v10 =	vadd.f32 v22, v10;
	v2 =	vadd.f32 v2, v8  }
0x71: {  	v8 =	vadd.f32 v13, v9;
	v7 =	vadd.f32 v7, v11  }
0x72: {  	v9 =	vadd.f32 v12, v10;
	v0 =	vadd.f32 v0, v2  }
0x73: {  	v2 =	vadd.f32 v14, v8;
	v1 =	vadd.f32 v1, v7  }
0x74: {  	s12 =	sshll.u32 s31, $0x8;
	v7 =	vadd.f32 v15, v9;
	v0 =	vadd.f32 v0, v3  }
0x75: {  	p0 =	seq.s32 s31, $0x1F;
	s1 =	sand.u32 $0x3FFFFF00, s12;
	v2 =	vadd.f32 v16, v2;
	v1 =	vadd.f32 v1, v4  }
0x76: {  	s0 =	smul.u32 @!p0 $0xC80, s31;
	[tilespmem:s1+$0x12C00] =	vst v0;
	v0 =	vadd.f32 v7, v5  }
0x77: {  	[tilespmem:s1+$0x12C10] =	vst v1;
	v1 =	vadd.f32 v2, v6  }
0x78: {  	s0 =	sshra.s32 @!p0 s0, $0x2;
	[tilespmem:s1+$0x12C20] =	vst v0  }
0x79: {  	s11 =	simm.s32 @!p0 $0x68;
	s12 =	simm.s32 @!p0 $0x6400;
	s9 =	sadd.s32 @!p0 $0x320, s0;
	[tilespmem:s1+$0x12C30] =	vst v1  }
0x7a: {  	[tilespmem:s12], [sflag:$0x1] =	stream.indirect.gather @!p0 [hbm4b:s3+s11], $0x40, s9, s11, $0xb8;
	[tilespmem:$0x14C00] =	vst v63  }
0x7b: {  	s9 =	sadd.s32 @!p0 $0x388, s0;
	s11 =	simm.s32 @!p0 $0x60;
	s12 =	simm.s32 @!p0 $0x7E00  }
0x7c: {  	[tilespmem:s12], [sflag:$0x1] =	stream.indirect.gather @!p0 [hbm4b:s3+s11], $0x40, s9, s11, $0xb8;
	[tilespmem:$0x14C00] =	vst v63  }
0x7d: {  	_ =	swait.ge [sflag:s25], $0x1A00  }
0x7e: {  	[sflag:s25] =	ssyncset.done $0x0  }
0x7f: {  	[sflag:s25] =	ssyncadd.s32 $0xFFFFE600  }
0x80: {  	_ =	swait.ge [sflag:s25], $0x1800  }
0x81: {  	[sflag:s25] =	ssyncset.done $0x0  }
0x82: {  	s9 =	simm.s32 $0x0;
	[sflag:s25] =	ssyncadd.s32 $0xFFFFE800  }
0x83: {  	v3 =	vld [tilespmem:s9+$0x9780]  }
0x84: {  	v4 =	vld [tilespmem:s9+$0x9790]  }
0x85: {  	v5 =	vld [tilespmem:s9+$0x97A0]  }
0x86: {  	v6 =	vld [tilespmem:s9+$0x97B0]  }
0x87: {  	v0 =	vld [tilespmem:s9+$0x97C0]  }
0x88: {  	v1 =	vld [tilespmem:s9+$0x97D0]  }
0x89: {  	v13 =	vld [tilespmem:s9+$0x9700]  }
0x8a: {  	v15 =	vld [tilespmem:s9+$0x9710]  }
0x8b: {  	v12 =	vld [tilespmem:s9+$0x9720]  }
0x8c: {  	v14 =	vld [tilespmem:s9+$0x9730]  }
0x8d: {  	v2 =	vld [tilespmem:s9+$0x9740]  }
0x8e: {  	v9 =	vld [tilespmem:s9+$0x9680]  }
0x8f: {  	v10 =	vld [tilespmem:s9+$0x9690]  }
0x90: {  	v11 =	vld [tilespmem:s9+$0x9600]  }
0x91: {  	v17 =	vld [tilespmem:s9+$0x9610]  }
0x92: {  	v18 =	vld [tilespmem:s9+$0x9620]  }
0x93: {  	v19 =	vld [tilespmem:s9+$0x9630]  }
0x94: {  	v20 =	vld [tilespmem:s9+$0x96A0]  }
0x95: {  	v24 =	vld [tilespmem:s9+$0x96B0]  }
0x96: {  	v8 =	vimm.f32 $0.0e+00;
	v7 =	vld [tilespmem:s9+$0x9750]  }
0x97: {  	v16 =	vld [tilespmem:s9+$0x96C0];
	v11 =	vadd.f32 v11, v8;
	v22 =	vadd.f32 v17, v8  }
0x98: {  	v17 =	vld [tilespmem:s9+$0x96D0];
	v23 =	vadd.f32 v18, v8;
	v25 =	vadd.f32 v19, v8  }
0x99: {  	v18 =	vld [tilespmem:s9+$0x9640];
	v21 =	vadd.f32 v9, v11;
	v22 =	vadd.f32 v10, v22  }
0x9a: {  	v19 =	vld [tilespmem:s9+$0x9650];
	v23 =	vadd.f32 v20, v23;
	v24 =	vadd.f32 v24, v25  }
0x9b: {  	s11 =	simm.s32 $0x800;
	v20 =	vld [tilespmem:s9+$0x9660];
	v11 =	vimm.f32 $0.0e+00;
	v10 =	vimm.f32 $0.0e+00;
	v9 =	vimm.f32 $0.0e+00  }
.LBB2_5:
0x9c: {  	p1 =	sne.s32 s11, $0xC000;
	v25 =	vld [tilespmem:s9+$0x9670];
	v13 =	vadd.f32 v13, v21;
	v15 =	vadd.f32 v15, v22  }
0x9d: {  	v21 =	vld [tilespmem:s9+$0x96E0];
	v12 =	vadd.f32 v12, v23;
	v14 =	vadd.f32 v14, v24  }
0x9e: {  	v22 =	vld [tilespmem:s9+$0x96F0];
	v23 =	vadd.f32 v3, v13;
	v24 =	vadd.f32 v4, v15  }
0x9f: {  	v13 =	vld [tilespmem:s9+$0x9760];
	v26 =	vadd.f32 v5, v12;
	v27 =	vadd.f32 v6, v14  }
0xa0: {  	v3 =	vadd.f32 v18, v8;
	v4 =	vadd.f32 v19, v11;
	v6 =	vld [tilespmem:s9+$0x9770]  }
0xa1: {  	v5 =	vadd.f32 v20, v10;
	v8 =	vadd.f32 v25, v9;
	v9 =	vld [tilespmem:s9+$0x97E0]  }
0xa2: {  	v10 =	vadd.f32 v16, v3;
	v11 =	vadd.f32 v17, v4;
	v12 =	vld [tilespmem:s9+$0x97F0];
	s9 =	sshra.s32 s11, $0x2  }
0xa3: {  	v14 =	vadd.f32 v21, v5;
	v3 =	vld [tilespmem:s9+$0x9780];
	v8 =	vadd.f32 v22, v8  }
0xa4: {  	v2 =	vadd.f32 v2, v10;
	v7 =	vadd.f32 v7, v11;
	v4 =	vld [tilespmem:s9+$0x9790]  }
0xa5: {  	v10 =	vadd.f32 v13, v14;
	v5 =	vld [tilespmem:s9+$0x97A0];
	v13 =	vadd.f32 v6, v8  }
0xa6: {  	v8 =	vadd.f32 v0, v2;
	v11 =	vadd.f32 v1, v7;
	v6 =	vld [tilespmem:s9+$0x97B0]  }
0xa7: {  	v10 =	vadd.f32 v9, v10;
	v0 =	vld [tilespmem:s9+$0x97C0];
	v9 =	vadd.f32 v12, v13  }
0xa8: {  	v1 =	vld [tilespmem:s9+$0x97D0]  }
0xa9: {  	v13 =	vld [tilespmem:s9+$0x9700]  }
0xaa: {  	v15 =	vld [tilespmem:s9+$0x9710]  }
0xab: {  	v12 =	vld [tilespmem:s9+$0x9720]  }
0xac: {  	v14 =	vld [tilespmem:s9+$0x9730]  }
0xad: {  	v2 =	vld [tilespmem:s9+$0x9740]  }
0xae: {  	v7 =	vld [tilespmem:s9+$0x9750]  }
0xaf: {  	v20 =	vld [tilespmem:s9+$0x9680]  }
0xb0: {  	v22 =	vld [tilespmem:s9+$0x9690]  }
0xb1: {  	v17 =	vld [tilespmem:s9+$0x9600]  }
0xb2: {  	v18 =	vld [tilespmem:s9+$0x9610]  }
0xb3: {  	v19 =	vld [tilespmem:s9+$0x9620]  }
0xb4: {  	v21 =	vld [tilespmem:s9+$0x9630]  }
0xb5: {  	v25 =	vld [tilespmem:s9+$0x96A0]  }
0xb6: {  	v28 =	vld [tilespmem:s9+$0x96B0]  }
.Ltmp3:
0xb7: {  	v16 =	vld [tilespmem:s9+$0x96C0];
	(pc) =	sbr.rel @p1 .LBB2_5-.Ltmp3, $4  }
0xb8: {  	v23 =	vadd.f32 v17, v23;
	v24 =	vadd.f32 v18, v24;
	v17 =	vld [tilespmem:s9+$0x96D0]  }
0xb9: {  	v26 =	vadd.f32 v19, v26;
	v27 =	vadd.f32 v21, v27;
	v18 =	vld [tilespmem:s9+$0x9640]  }
0xba: {  	v21 =	vadd.f32 v20, v23;
	v22 =	vadd.f32 v22, v24;
	v19 =	vld [tilespmem:s9+$0x9650]  }
0xbb: {  	s11 =	sadd.s32 $0x800, s11;
	v23 =	vadd.f32 v25, v26;
	v20 =	vld [tilespmem:s9+$0x9660];
	v24 =	vadd.f32 v28, v27  }
0xbc: {  	v13 =	vadd.f32 v13, v21;
	v15 =	vadd.f32 v15, v22  }
0xbd: {  	v21 =	vld [tilespmem:s9+$0x9670];
	v12 =	vadd.f32 v12, v23;
	v14 =	vadd.f32 v14, v24  }
0xbe: {  	v22 =	vld [tilespmem:s9+$0x96E0];
	v3 =	vadd.f32 v3, v13;
	v4 =	vadd.f32 v4, v15  }
0xbf: {  	v13 =	vld [tilespmem:s9+$0x96F0];
	v8 =	vadd.f32 v18, v8;
	v5 =	vadd.f32 v5, v12  }
0xc0: {  	v12 =	vld [tilespmem:s9+$0x9760];
	v6 =	vadd.f32 v6, v14;
	v11 =	vadd.f32 v19, v11  }
0xc1: {  	v14 =	vld [tilespmem:s9+$0x9770];
	v10 =	vadd.f32 v20, v10;
	v8 =	vadd.f32 v16, v8  }
0xc2: {  	v15 =	vld [tilespmem:s9+$0x97E0];
	v9 =	vadd.f32 v21, v9;
	v11 =	vadd.f32 v17, v11  }
0xc3: {  	v16 =	vld [tilespmem:s9+$0x97F0];
	v10 =	vadd.f32 v22, v10;
	v2 =	vadd.f32 v2, v8  }
0xc4: {  	v8 =	vadd.f32 v13, v9;
	v7 =	vadd.f32 v7, v11  }
0xc5: {  	v9 =	vadd.f32 v12, v10;
	v0 =	vadd.f32 v0, v2  }
0xc6: {  	v2 =	vadd.f32 v14, v8;
	v1 =	vadd.f32 v1, v7  }
0xc7: {  	v7 =	vadd.f32 v15, v9;
	v0 =	vadd.f32 v0, v3  }
0xc8: {  	v2 =	vadd.f32 v16, v2;
	v1 =	vadd.f32 v1, v4  }
0xc9: {  	[tilespmem:s1+$0x12C40] =	vst v0;
	v0 =	vadd.f32 v7, v5  }
0xca: {  	[tilespmem:s1+$0x12C50] =	vst v1;
	v1 =	vadd.f32 v2, v6  }
0xcb: {  	[tilespmem:s1+$0x12C60] =	vst v0  }
0xcc: {  	s11 =	simm.s32 @!p0 $0x68;
	s12 =	simm.s32 @!p0 $0x9600;
	s9 =	sadd.s32 @!p0 $0x3E8, s0;
	[tilespmem:s1+$0x12C70] =	vst v1  }
0xcd: {  	[tilespmem:s12], [sflag:$0x2] =	stream.indirect.gather @!p0 [hbm4b:s3+s11], $0x40, s9, s11, $0xb8;
	[tilespmem:$0x14C00] =	vst v63  }
0xce: {  	s9 =	sadd.s32 @!p0 $0x450, s0;
	s11 =	simm.s32 @!p0 $0x60;
	s12 =	simm.s32 @!p0 $0xB000  }
0xcf: {  	[tilespmem:s12], [sflag:$0x2] =	stream.indirect.gather @!p0 [hbm4b:s3+s11], $0x40, s9, s11, $0xb8;
	[tilespmem:$0x14C00] =	vst v63  }
0xd0: {  	_ =	swait.ge [sflag:s26], $0x1A00  }
0xd1: {  	[sflag:s26] =	ssyncset.done $0x0  }
0xd2: {  	[sflag:s26] =	ssyncadd.s32 $0xFFFFE600  }
0xd3: {  	_ =	swait.ge [sflag:s26], $0x1800  }
0xd4: {  	[sflag:s26] =	ssyncset.done $0x0  }
0xd5: {  	s9 =	simm.s32 $0x0;
	[sflag:s26] =	ssyncadd.s32 $0xFFFFE800  }
0xd6: {  	v3 =	vld [tilespmem:s9+$0xC980]  }
0xd7: {  	v4 =	vld [tilespmem:s9+$0xC990]  }
0xd8: {  	v5 =	vld [tilespmem:s9+$0xC9A0]  }
0xd9: {  	v6 =	vld [tilespmem:s9+$0xC9B0]  }
0xda: {  	v0 =	vld [tilespmem:s9+$0xC9C0]  }
0xdb: {  	v1 =	vld [tilespmem:s9+$0xC9D0]  }
0xdc: {  	v13 =	vld [tilespmem:s9+$0xC900]  }
0xdd: {  	v15 =	vld [tilespmem:s9+$0xC910]  }
0xde: {  	v12 =	vld [tilespmem:s9+$0xC920]  }
0xdf: {  	v14 =	vld [tilespmem:s9+$0xC930]  }
0xe0: {  	v2 =	vld [tilespmem:s9+$0xC940]  }
0xe1: {  	v9 =	vld [tilespmem:s9+$0xC880]  }
0xe2: {  	v10 =	vld [tilespmem:s9+$0xC890]  }
0xe3: {  	v11 =	vld [tilespmem:s9+$0xC800]  }
0xe4: {  	v17 =	vld [tilespmem:s9+$0xC810]  }
0xe5: {  	v18 =	vld [tilespmem:s9+$0xC820]  }
0xe6: {  	v19 =	vld [tilespmem:s9+$0xC830]  }
0xe7: {  	v20 =	vld [tilespmem:s9+$0xC8A0]  }
0xe8: {  	v24 =	vld [tilespmem:s9+$0xC8B0]  }
0xe9: {  	v8 =	vimm.f32 $0.0e+00;
	v7 =	vld [tilespmem:s9+$0xC950]  }
0xea: {  	v16 =	vld [tilespmem:s9+$0xC8C0];
	v11 =	vadd.f32 v11, v8;
	v22 =	vadd.f32 v17, v8  }
0xeb: {  	v17 =	vld [tilespmem:s9+$0xC8D0];
	v23 =	vadd.f32 v18, v8;
	v25 =	vadd.f32 v19, v8  }
0xec: {  	v18 =	vld [tilespmem:s9+$0xC840];
	v21 =	vadd.f32 v9, v11;
	v22 =	vadd.f32 v10, v22  }
0xed: {  	v19 =	vld [tilespmem:s9+$0xC850];
	v23 =	vadd.f32 v20, v23;
	v24 =	vadd.f32 v24, v25  }
0xee: {  	s11 =	simm.s32 $0x800;
	v20 =	vld [tilespmem:s9+$0xC860];
	v11 =	vimm.f32 $0.0e+00;
	v10 =	vimm.f32 $0.0e+00;
	v9 =	vimm.f32 $0.0e+00  }
.LBB2_7:
0xef: {  	p1 =	sne.s32 s11, $0xC000;
	v25 =	vld [tilespmem:s9+$0xC870];
	v13 =	vadd.f32 v13, v21;
	v15 =	vadd.f32 v15, v22  }
0xf0: {  	v21 =	vld [tilespmem:s9+$0xC8E0];
	v12 =	vadd.f32 v12, v23;
	v14 =	vadd.f32 v14, v24  }
0xf1: {  	v22 =	vld [tilespmem:s9+$0xC8F0];
	v23 =	vadd.f32 v3, v13;
	v24 =	vadd.f32 v4, v15  }
0xf2: {  	v13 =	vld [tilespmem:s9+$0xC960];
	v26 =	vadd.f32 v5, v12;
	v27 =	vadd.f32 v6, v14  }
0xf3: {  	v3 =	vadd.f32 v18, v8;
	v4 =	vadd.f32 v19, v11;
	v6 =	vld [tilespmem:s9+$0xC970]  }
0xf4: {  	v5 =	vadd.f32 v20, v10;
	v8 =	vadd.f32 v25, v9;
	v9 =	vld [tilespmem:s9+$0xC9E0]  }
0xf5: {  	v10 =	vadd.f32 v16, v3;
	v11 =	vadd.f32 v17, v4;
	v12 =	vld [tilespmem:s9+$0xC9F0];
	s9 =	sshra.s32 s11, $0x2  }
0xf6: {  	v14 =	vadd.f32 v21, v5;
	v3 =	vld [tilespmem:s9+$0xC980];
	v8 =	vadd.f32 v22, v8  }
0xf7: {  	v2 =	vadd.f32 v2, v10;
	v7 =	vadd.f32 v7, v11;
	v4 =	vld [tilespmem:s9+$0xC990]  }
0xf8: {  	v10 =	vadd.f32 v13, v14;
	v5 =	vld [tilespmem:s9+$0xC9A0];
	v13 =	vadd.f32 v6, v8  }
0xf9: {  	v8 =	vadd.f32 v0, v2;
	v11 =	vadd.f32 v1, v7;
	v6 =	vld [tilespmem:s9+$0xC9B0]  }
0xfa: {  	v10 =	vadd.f32 v9, v10;
	v0 =	vld [tilespmem:s9+$0xC9C0];
	v9 =	vadd.f32 v12, v13  }
0xfb: {  	v1 =	vld [tilespmem:s9+$0xC9D0]  }
0xfc: {  	v13 =	vld [tilespmem:s9+$0xC900]  }
0xfd: {  	v15 =	vld [tilespmem:s9+$0xC910]  }
0xfe: {  	v12 =	vld [tilespmem:s9+$0xC920]  }
0xff: {  	v14 =	vld [tilespmem:s9+$0xC930]  }
0x100: {  	v2 =	vld [tilespmem:s9+$0xC940]  }
0x101: {  	v7 =	vld [tilespmem:s9+$0xC950]  }
0x102: {  	v20 =	vld [tilespmem:s9+$0xC880]  }
0x103: {  	v22 =	vld [tilespmem:s9+$0xC890]  }
0x104: {  	v17 =	vld [tilespmem:s9+$0xC800]  }
0x105: {  	v18 =	vld [tilespmem:s9+$0xC810]  }
0x106: {  	v19 =	vld [tilespmem:s9+$0xC820]  }
0x107: {  	v21 =	vld [tilespmem:s9+$0xC830]  }
0x108: {  	v25 =	vld [tilespmem:s9+$0xC8A0]  }
0x109: {  	v28 =	vld [tilespmem:s9+$0xC8B0]  }
.Ltmp4:
0x10a: {  	v16 =	vld [tilespmem:s9+$0xC8C0];
	(pc) =	sbr.rel @p1 .LBB2_7-.Ltmp4, $4  }
0x10b: {  	v23 =	vadd.f32 v17, v23;
	v24 =	vadd.f32 v18, v24;
	v17 =	vld [tilespmem:s9+$0xC8D0]  }
0x10c: {  	v26 =	vadd.f32 v19, v26;
	v27 =	vadd.f32 v21, v27;
	v18 =	vld [tilespmem:s9+$0xC840]  }
0x10d: {  	v21 =	vadd.f32 v20, v23;
	v22 =	vadd.f32 v22, v24;
	v19 =	vld [tilespmem:s9+$0xC850]  }
0x10e: {  	s11 =	sadd.s32 $0x800, s11;
	v23 =	vadd.f32 v25, v26;
	v20 =	vld [tilespmem:s9+$0xC860];
	v24 =	vadd.f32 v28, v27  }
0x10f: {  	v13 =	vadd.f32 v13, v21;
	v15 =	vadd.f32 v15, v22  }
0x110: {  	v21 =	vld [tilespmem:s9+$0xC870];
	v12 =	vadd.f32 v12, v23;
	v14 =	vadd.f32 v14, v24  }
0x111: {  	v22 =	vld [tilespmem:s9+$0xC8E0];
	v3 =	vadd.f32 v3, v13;
	v4 =	vadd.f32 v4, v15  }
0x112: {  	v13 =	vld [tilespmem:s9+$0xC8F0];
	v8 =	vadd.f32 v18, v8;
	v5 =	vadd.f32 v5, v12  }
0x113: {  	v12 =	vld [tilespmem:s9+$0xC960];
	v6 =	vadd.f32 v6, v14;
	v11 =	vadd.f32 v19, v11  }
0x114: {  	v14 =	vld [tilespmem:s9+$0xC970];
	v10 =	vadd.f32 v20, v10;
	v8 =	vadd.f32 v16, v8  }
0x115: {  	v15 =	vld [tilespmem:s9+$0xC9E0];
	v9 =	vadd.f32 v21, v9;
	v11 =	vadd.f32 v17, v11  }
0x116: {  	v16 =	vld [tilespmem:s9+$0xC9F0];
	v10 =	vadd.f32 v22, v10;
	v2 =	vadd.f32 v2, v8  }
0x117: {  	v8 =	vadd.f32 v13, v9;
	v7 =	vadd.f32 v7, v11  }
0x118: {  	v9 =	vadd.f32 v12, v10;
	v0 =	vadd.f32 v0, v2  }
0x119: {  	v2 =	vadd.f32 v14, v8;
	v1 =	vadd.f32 v1, v7  }
0x11a: {  	v7 =	vadd.f32 v15, v9;
	v0 =	vadd.f32 v0, v3  }
0x11b: {  	v2 =	vadd.f32 v16, v2;
	v1 =	vadd.f32 v1, v4  }
0x11c: {  	[tilespmem:s1+$0x12C80] =	vst v0;
	v0 =	vadd.f32 v7, v5  }
0x11d: {  	[tilespmem:s1+$0x12C90] =	vst v1;
	v1 =	vadd.f32 v2, v6  }
0x11e: {  	[tilespmem:s1+$0x12CA0] =	vst v0  }
0x11f: {  	s11 =	simm.s32 @!p0 $0x68;
	s12 =	simm.s32 @!p0 $0xC800;
	s9 =	sadd.s32 @!p0 $0x4B0, s0;
	[tilespmem:s1+$0x12CB0] =	vst v1  }
0x120: {  	[tilespmem:s12], [sflag:$0x3] =	stream.indirect.gather @!p0 [hbm4b:s3+s11], $0x40, s9, s11, $0xb8;
	[tilespmem:$0x14C00] =	vst v63  }
0x121: {  	s0 =	sadd.s32 @!p0 $0x518, s0;
	s9 =	simm.s32 @!p0 $0x60;
	s11 =	simm.s32 @!p0 $0xE200  }
0x122: {  	[tilespmem:s11], [sflag:$0x3] =	stream.indirect.gather @!p0 [hbm4b:s3+s9], $0x40, s0, s9, $0xb8;
	[tilespmem:$0x14C00] =	vst v63  }
0x123: {  	_ =	swait.ge [sflag:s28], $0x1A00  }
0x124: {  	[sflag:s28] =	ssyncset.done $0x0  }
0x125: {  	[sflag:s28] =	ssyncadd.s32 $0xFFFFE600  }
0x126: {  	_ =	swait.ge [sflag:s28], $0x1800  }
0x127: {  	[sflag:s28] =	ssyncset.done $0x0  }
0x128: {  	s0 =	simm.s32 $0x0;
	[sflag:s28] =	ssyncadd.s32 $0xFFFFE800  }
0x129: {  	v3 =	vld [tilespmem:s0+$0xFB80]  }
0x12a: {  	v4 =	vld [tilespmem:s0+$0xFB90]  }
0x12b: {  	v5 =	vld [tilespmem:s0+$0xFBA0]  }
0x12c: {  	v6 =	vld [tilespmem:s0+$0xFBB0]  }
0x12d: {  	v0 =	vld [tilespmem:s0+$0xFBC0]  }
0x12e: {  	v1 =	vld [tilespmem:s0+$0xFBD0]  }
0x12f: {  	v13 =	vld [tilespmem:s0+$0xFB00]  }
0x130: {  	v15 =	vld [tilespmem:s0+$0xFB10]  }
0x131: {  	v12 =	vld [tilespmem:s0+$0xFB20]  }
0x132: {  	v14 =	vld [tilespmem:s0+$0xFB30]  }
0x133: {  	v2 =	vld [tilespmem:s0+$0xFB40]  }
0x134: {  	v9 =	vld [tilespmem:s0+$0xFA80]  }
0x135: {  	v10 =	vld [tilespmem:s0+$0xFA90]  }
0x136: {  	v11 =	vld [tilespmem:s0+$0xFA00]  }
0x137: {  	v17 =	vld [tilespmem:s0+$0xFA10]  }
0x138: {  	v18 =	vld [tilespmem:s0+$0xFA20]  }
0x139: {  	v19 =	vld [tilespmem:s0+$0xFA30]  }
0x13a: {  	v20 =	vld [tilespmem:s0+$0xFAA0]  }
0x13b: {  	v24 =	vld [tilespmem:s0+$0xFAB0]  }
0x13c: {  	v8 =	vimm.f32 $0.0e+00;
	v7 =	vld [tilespmem:s0+$0xFB50]  }
0x13d: {  	v16 =	vld [tilespmem:s0+$0xFAC0];
	v11 =	vadd.f32 v11, v8;
	v22 =	vadd.f32 v17, v8  }
0x13e: {  	v17 =	vld [tilespmem:s0+$0xFAD0];
	v23 =	vadd.f32 v18, v8;
	v25 =	vadd.f32 v19, v8  }
0x13f: {  	v18 =	vld [tilespmem:s0+$0xFA40];
	v21 =	vadd.f32 v9, v11;
	v22 =	vadd.f32 v10, v22  }
0x140: {  	v19 =	vld [tilespmem:s0+$0xFA50];
	v23 =	vadd.f32 v20, v23;
	v24 =	vadd.f32 v24, v25  }
0x141: {  	s9 =	simm.s32 $0x800;
	v20 =	vld [tilespmem:s0+$0xFA60];
	v11 =	vimm.f32 $0.0e+00;
	v10 =	vimm.f32 $0.0e+00;
	v9 =	vimm.f32 $0.0e+00  }
.LBB2_9:
0x142: {  	p1 =	sne.s32 s9, $0xC000;
	v25 =	vld [tilespmem:s0+$0xFA70];
	v13 =	vadd.f32 v13, v21;
	v15 =	vadd.f32 v15, v22  }
0x143: {  	v21 =	vld [tilespmem:s0+$0xFAE0];
	v12 =	vadd.f32 v12, v23;
	v14 =	vadd.f32 v14, v24  }
0x144: {  	v22 =	vld [tilespmem:s0+$0xFAF0];
	v23 =	vadd.f32 v3, v13;
	v24 =	vadd.f32 v4, v15  }
0x145: {  	v13 =	vld [tilespmem:s0+$0xFB60];
	v26 =	vadd.f32 v5, v12;
	v27 =	vadd.f32 v6, v14  }
0x146: {  	v3 =	vadd.f32 v18, v8;
	v4 =	vadd.f32 v19, v11;
	v6 =	vld [tilespmem:s0+$0xFB70]  }
0x147: {  	v5 =	vadd.f32 v20, v10;
	v8 =	vadd.f32 v25, v9;
	v9 =	vld [tilespmem:s0+$0xFBE0]  }
0x148: {  	v10 =	vadd.f32 v16, v3;
	v11 =	vadd.f32 v17, v4;
	v12 =	vld [tilespmem:s0+$0xFBF0];
	s0 =	sshra.s32 s9, $0x2  }
0x149: {  	v14 =	vadd.f32 v21, v5;
	v3 =	vld [tilespmem:s0+$0xFB80];
	v8 =	vadd.f32 v22, v8  }
0x14a: {  	v2 =	vadd.f32 v2, v10;
	v7 =	vadd.f32 v7, v11;
	v4 =	vld [tilespmem:s0+$0xFB90]  }
0x14b: {  	v10 =	vadd.f32 v13, v14;
	v5 =	vld [tilespmem:s0+$0xFBA0];
	v13 =	vadd.f32 v6, v8  }
0x14c: {  	v8 =	vadd.f32 v0, v2;
	v11 =	vadd.f32 v1, v7;
	v6 =	vld [tilespmem:s0+$0xFBB0]  }
0x14d: {  	v10 =	vadd.f32 v9, v10;
	v0 =	vld [tilespmem:s0+$0xFBC0];
	v9 =	vadd.f32 v12, v13  }
0x14e: {  	v1 =	vld [tilespmem:s0+$0xFBD0]  }
0x14f: {  	v13 =	vld [tilespmem:s0+$0xFB00]  }
0x150: {  	v15 =	vld [tilespmem:s0+$0xFB10]  }
0x151: {  	v12 =	vld [tilespmem:s0+$0xFB20]  }
0x152: {  	v14 =	vld [tilespmem:s0+$0xFB30]  }
0x153: {  	v2 =	vld [tilespmem:s0+$0xFB40]  }
0x154: {  	v7 =	vld [tilespmem:s0+$0xFB50]  }
0x155: {  	v20 =	vld [tilespmem:s0+$0xFA80]  }
0x156: {  	v22 =	vld [tilespmem:s0+$0xFA90]  }
0x157: {  	v17 =	vld [tilespmem:s0+$0xFA00]  }
0x158: {  	v18 =	vld [tilespmem:s0+$0xFA10]  }
0x159: {  	v19 =	vld [tilespmem:s0+$0xFA20]  }
0x15a: {  	v21 =	vld [tilespmem:s0+$0xFA30]  }
0x15b: {  	v25 =	vld [tilespmem:s0+$0xFAA0]  }
0x15c: {  	v28 =	vld [tilespmem:s0+$0xFAB0]  }
.Ltmp5:
0x15d: {  	v16 =	vld [tilespmem:s0+$0xFAC0];
	(pc) =	sbr.rel @p1 .LBB2_9-.Ltmp5, $4  }
0x15e: {  	v23 =	vadd.f32 v17, v23;
	v24 =	vadd.f32 v18, v24;
	v17 =	vld [tilespmem:s0+$0xFAD0]  }
0x15f: {  	v26 =	vadd.f32 v19, v26;
	v27 =	vadd.f32 v21, v27;
	v18 =	vld [tilespmem:s0+$0xFA40]  }
0x160: {  	v21 =	vadd.f32 v20, v23;
	v22 =	vadd.f32 v22, v24;
	v19 =	vld [tilespmem:s0+$0xFA50]  }
0x161: {  	s9 =	sadd.s32 $0x800, s9;
	v23 =	vadd.f32 v25, v26;
	v20 =	vld [tilespmem:s0+$0xFA60];
	v24 =	vadd.f32 v28, v27  }
0x162: {  	v13 =	vadd.f32 v13, v21;
	v15 =	vadd.f32 v15, v22  }
0x163: {  	v51 =	vld [tilespmem:s0+$0xFA70];
	v12 =	vadd.f32 v12, v23;
	v14 =	vadd.f32 v14, v24  }
0x164: {  	v52 =	vld [tilespmem:s0+$0xFAE0];
	v3 =	vadd.f32 v3, v13;
	v4 =	vadd.f32 v4, v15  }
0x165: {  	v53 =	vld [tilespmem:s0+$0xFAF0];
	v8 =	vadd.f32 v18, v8;
	v5 =	vadd.f32 v5, v12  }
0x166: {  	v54 =	vld [tilespmem:s0+$0xFB60];
	v6 =	vadd.f32 v6, v14;
	v11 =	vadd.f32 v19, v11  }
0x167: {  	v55 =	vld [tilespmem:s0+$0xFB70];
	v10 =	vadd.f32 v20, v10;
	v8 =	vadd.f32 v16, v8  }
0x168: {  	v56 =	vld [tilespmem:s0+$0xFBE0];
	v9 =	vadd.f32 v51, v9;
	v11 =	vadd.f32 v17, v11  }
0x169: {  	v57 =	vld [tilespmem:s0+$0xFBF0];
	v10 =	vadd.f32 v52, v10;
	v2 =	vadd.f32 v2, v8  }
0x16a: {  	v58 =	vadd.f32 v53, v9;
	v7 =	vadd.f32 v7, v11  }
0x16b: {  	v59 =	vadd.f32 v54, v10;
	v0 =	vadd.f32 v0, v2  }
0x16c: {  	v60 =	vadd.f32 v55, v58;
	v1 =	vadd.f32 v1, v7  }
0x16d: {  	v61 =	vadd.f32 v56, v59;
	v0 =	vadd.f32 v0, v3  }
.Ltmp6:
0x16e: {  	v2 =	vadd.f32 v57, v60;
	v1 =	vadd.f32 v1, v4;
	(pc) =	sbr.rel @p0 .LBB2_12-.Ltmp6, $4  }
0x16f: {  	[tilespmem:s1+$0x12CC0] =	vst v0;
	v62 =	vadd.f32 v61, v5  }
0x170: {  	[tilespmem:s1+$0x12CD0] =	vst v1;
	v63 =	vadd.f32 v2, v6  }
0x171: {  	[tilespmem:s1+$0x12CE0] =	vst v62  }
0x172: {  	[tilespmem:s1+$0x12CF0] =	vst v63  }
0x173: {  	s0 =	smul.u32 $0xC80, s31;
	_ =	sdelay $0x1  }
.Ltmp7:
0x174: {  	s0 =	sshra.s32 s0, $0x2;
	(pc) =	sbr.rel .LBB2_2-.Ltmp7, $4  }
0x175: {  	s1 =	sadd.s32 $0x578, s0  }
0x176: {  	[tilespmem:s21], [sflag:$0x4] =	stream.indirect.gather [hbm4b:s3+s8], $0x40, s1, s8, $0xb8;
	[tilespmem:$0x14C00] =	vst v63  }
0x177: {  	s31 =	sadd.s32 $0x1, s31;
	s0 =	sadd.s32 $0x5E0, s0  }
0x178: {  	[tilespmem:s23], [sflag:$0x4] =	stream.indirect.gather [hbm4b:s3+s10], $0x40, s0, s10, $0xb8;
	[tilespmem:$0x14C00] =	vst v63  }
.LBB2_13:
0x179: {  	_ =	sfence.sel $0x180000  }
0x17a: {  	[bflag:$0x0] =	sbarrier.arrive $0xFFFF  }
0x17b: {  	_ =	strace $0x90000047  }
0x17c: {  	s0 =	stileid.u32;
	[bflag:$0x2] =	sbarrier.arrive $0xFFFF  }
0x17d: {  	p0 =	sne.s32 s0, $0x0;
	s0 =	rddreg [dreg:$0x1]  }
0x17e: {  	s0 =	sadd.s32 @!p0 $0x100000, s0  }
0x17f: {  	[sflag:s0] =	ssyncadd.tile.s32 @!p0 $0x1;
	_ =	shalt  }
.Lfunc_end2:
_tile_overlayer_lowered:
.L_overlay_start_2:
0x180: {  	(tag) =	ssettag $0x2  }
0x181: {  	s0 =	rddreg [dreg:$0x0];
	s2 =	stileid.u32  }
0x182: {  	s1 =	rddreg [dreg:$0x1];
	p0 =	sne.s32 s2, $0x0  }
0x183: {  	s3 =	rddreg [dreg:$0x2];
	[bflag:$0x3] =	sbarrier.arrive $0xFFFF;
	s2 =	simm.s32 @!p0 $0x1C05  }
0x184: {  	[timem:s3], [sflag:s2] =	dma.local @!p0 [hbm:s0], s1  }
0x185: {  	s0 =	simm.s32 @!p0 $0x5  }
0x186: {  	_ =	swait.ge @!p0 [sflag:s0], s1  }
0x187: {  	s1 =	ssub.s32 @!p0 $0x0, s1;
	[sflag:s0] =	ssyncset.done @!p0 $0x0  }
0x188: {  	[sflag:s0] =	ssyncadd.s32 @!p0 s1  }
0x189: {  	[bflag:$0x3] =	sbarrier.arrive $0xFFFF  }
0x18a: {  	_ =	shalt  }

</sc_bundles>
